<compile_context>
chip_gen: v7x
topology: tpu7x:2x2x1
jax: 0.10.2.dev20260603
libtpu: 0.0.44.dev20260713+nightly
codegen_flags: <defaults>
</compile_context>

<pallas_src>
import functools

import jax
import jax.numpy as jnp
from jax import lax
from jax.experimental import pallas as pl
from jax.experimental.pallas import tpu as pltpu
from jax.experimental.pallas import tpu_sc as plsc

N = 10000
NP = 10240
E = 320000
IN_CH = 128
HID = 16
NCL = 40
W = 128
NC = 2
NS = 16
NW = NC * NS
EPW = E // NW
K = 80
PAD = 240
EPWP = EPW + PAD
NCH = EPWP // K
NB = 2
IB = 8
RPT = NP // NS

_mesh = plsc.VectorSubcoreMesh(core_axis_name="c", subcore_axis_name="s")


def _sc_degree(epack, ones, zeros):

    @functools.partial(
        pl.kernel,
        mesh=_mesh,
        out_type=jax.ShapeDtypeStruct((NC, NP, 1, W), jnp.float32),
        scratch_types=[
            pltpu.VMEM((K, 1, W), jnp.float32),
        ] + [pltpu.VMEM((K,), jnp.int32) for _ in range(IB)] + [
            pltpu.VMEM_SHARED((NP, 1, W), jnp.float32),
        ] + [pltpu.SemaphoreType.DMA for _ in range(2 * IB)],
    )
    def k(e_hbm, ones_hbm, zeros_hbm, out_hbm, ones_v, *rest):
        ibuf = rest[:IB]
        deg_sh = rest[IB]
        isem = rest[IB + 1:IB + 1 + IB]
        ssem = rest[IB + 1 + IB:]
        c = lax.axis_index("c")
        s = lax.axis_index("s")
        w = c * NS + s
        base = s * RPT
        pltpu.sync_copy(ones_hbm, ones_v)
        pltpu.sync_copy(zeros_hbm.at[pl.ds(base, RPT)],
                        deg_sh.at[pl.ds(base, RPT)])
        plsc.subcore_barrier()

        for b in range(IB):
            pltpu.async_copy(e_hbm.at[w, b, 1], ibuf[b], isem[b])

        @pl.loop(0, NCH, step=IB)
        def _(j):
            for b in range(IB):
                jj = j + b
                pltpu.make_async_copy(e_hbm.at[w, jj, 1], ibuf[b],
                                      isem[b]).wait()
                pltpu.async_copy(ones_v, deg_sh.at[ibuf[b]], ssem[b],
                                 add=True)
            for b in range(IB):
                jj = j + b

                @pl.when(jj + IB < NCH)
                def _():
                    pltpu.make_async_copy(ones_v, deg_sh.at[ibuf[b]],
                                          ssem[b]).wait()
                    pltpu.async_copy(e_hbm.at[w, jj + IB, 1], ibuf[b],
                                     isem[b])

        for b in range(IB):
            pltpu.make_async_copy(ones_v, deg_sh.at[ibuf[b]], ssem[b]).wait()

        plsc.subcore_barrier()
        pltpu.sync_copy(deg_sh.at[pl.ds(base, RPT)],
                        out_hbm.at[c, pl.ds(base, RPT)])

    return k(epack, ones, zeros)


def _sc_scatter(g, epack, zeros):

    @functools.partial(
        pl.kernel,
        mesh=_mesh,
        out_type=jax.ShapeDtypeStruct((NC, NP, 1, W), jnp.float32),
        scratch_types=[pltpu.VMEM((2, K), jnp.int32) for _ in range(NB)]
        + [pltpu.VMEM((K, 1, W), jnp.float32) for _ in range(NB)] + [
            pltpu.VMEM_SHARED((NP, 1, W), jnp.float32),
        ] + [pltpu.SemaphoreType.DMA for _ in range(3 * NB)],
    )
    def k(g_hbm, e_hbm, zeros_hbm, out_hbm, *rest):
        ibuf = rest[:NB]
        bufs = rest[NB:2 * NB]
        acc_sh = rest[2 * NB]
        isem = rest[2 * NB + 1:3 * NB + 1]
        gsem = rest[3 * NB + 1:4 * NB + 1]
        ssem = rest[4 * NB + 1:]
        c = lax.axis_index("c")
        s = lax.axis_index("s")
        w = c * NS + s
        base = s * RPT
        pltpu.sync_copy(zeros_hbm.at[pl.ds(base, RPT)],
                        acc_sh.at[pl.ds(base, RPT)])
        plsc.subcore_barrier()

        for b in range(NB):
            pltpu.async_copy(e_hbm.at[w, b], ibuf[b], isem[b])
        for b in range(NB):
            pltpu.make_async_copy(e_hbm.at[w, b], ibuf[b], isem[b]).wait()
            pltpu.async_copy(g_hbm.at[ibuf[b].at[0]], bufs[b], gsem[b])

        @pl.loop(0, NCH, step=NB)
        def _(j):
            for b in range(NB):
                jj = j + b
                pltpu.make_async_copy(g_hbm.at[ibuf[b].at[0]], bufs[b],
                                      gsem[b]).wait()
                pltpu.async_copy(bufs[b], acc_sh.at[ibuf[b].at[1]], ssem[b],
                                 add=True)
            for b in range(NB):
                jj = j + b

                @pl.when(jj + NB < NCH)
                def _():
                    pltpu.make_async_copy(bufs[b], acc_sh.at[ibuf[b].at[1]],
                                          ssem[b]).wait()
                    pltpu.async_copy(e_hbm.at[w, jj + NB], ibuf[b], isem[b])
            for b in range(NB):
                jj = j + b

                @pl.when(jj + NB < NCH)
                def _():
                    pltpu.make_async_copy(e_hbm.at[w, jj + NB], ibuf[b],
                                          isem[b]).wait()
                    pltpu.async_copy(g_hbm.at[ibuf[b].at[0]], bufs[b],
                                     gsem[b])

        for b in range(NB):
            pltpu.make_async_copy(bufs[b], acc_sh.at[ibuf[b].at[1]],
                                  ssem[b]).wait()

        plsc.subcore_barrier()
        pltpu.sync_copy(acc_sh.at[pl.ds(base, RPT)],
                        out_hbm.at[c, pl.ds(base, RPT)])

    return k(g, epack, zeros)


def _tc_matmul1(x, W1):
    def body(x_ref, w_ref, o_ref):
        o_ref[...] = jnp.dot(x_ref[...], w_ref[...],
                             preferred_element_type=jnp.float32)

    return pl.pallas_call(
        body, out_shape=jax.ShapeDtypeStruct((N, HID), jnp.float32))(x, W1)


def _tc_norm(degp, h1):

    def body(dp_ref, h1_ref, dinv_ref, g_ref):
        deg = dp_ref[0, :N, :HID] + dp_ref[1, :N, :HID] + 1.0
        dinv = lax.rsqrt(deg)
        dinv_ref[...] = dinv
        g_ref[:N, :HID] = dinv * h1_ref[...]
        g_ref[:N, HID:] = jnp.zeros((N, W - HID), jnp.float32)
        g_ref[N:, :] = jnp.zeros((NP - N, W), jnp.float32)

    return pl.pallas_call(
        body,
        out_shape=[jax.ShapeDtypeStruct((N, HID), jnp.float32),
                   jax.ShapeDtypeStruct((NP, W), jnp.float32)],
    )(degp, h1)


def _tc_layer1(parts, g, dinv16, b1):

    def body(p_ref, g_ref, d_ref, b_ref, g2_ref):
        dinv = d_ref[...]
        h = dinv * (p_ref[0, :N, :HID] + p_ref[1, :N, :HID]
                    + g_ref[:N, :HID]) + b_ref[...][None, :]
        h = jnp.maximum(h, 0.0)
        g2_ref[:N, :HID] = dinv * h
        g2_ref[:N, HID:] = jnp.zeros((N, W - HID), jnp.float32)
        g2_ref[N:, :] = jnp.zeros((NP - N, W), jnp.float32)

    return pl.pallas_call(
        body,
        out_shape=jax.ShapeDtypeStruct((NP, W), jnp.float32),
    )(parts, g, dinv16, b1)


def _tc_layer2(parts, g2, dinv16, W2, b2):

    def body(p_ref, g2_ref, d_ref, w_ref, b_ref, o_ref):
        m = d_ref[...] * (p_ref[0, :N, :HID] + p_ref[1, :N, :HID]
                          + g2_ref[:N, :HID])
        o_ref[...] = jnp.dot(m, w_ref[...],
                             preferred_element_type=jnp.float32) \
            + b_ref[...][None, :]

    return pl.pallas_call(
        body,
        out_shape=jax.ShapeDtypeStruct((N, NCL), jnp.float32),
    )(parts, g2, dinv16, W2, b2)


def kernel(x, edge_index, W1, b1, W2, b2):
    idx = edge_index.astype(jnp.int32)
    padrow = jnp.broadcast_to(N + jnp.arange(PAD, dtype=jnp.int32),
                              (NW, PAD))
    src3 = jnp.concatenate([idx[0].reshape(NW, EPW), padrow],
                           axis=1).reshape(NW, NCH, K)
    dst3 = jnp.concatenate([idx[1].reshape(NW, EPW), padrow],
                           axis=1).reshape(NW, NCH, K)
    epack = jnp.stack([src3, dst3], axis=2)

    ones = jnp.ones((K, 1, W), jnp.float32)
    zeros = jnp.zeros((NP, 1, W), jnp.float32)
    degp = _sc_degree(epack, ones, zeros)
    h1 = _tc_matmul1(x, W1)
    dinv16, g = _tc_norm(degp.reshape(NC, NP, W), h1)
    parts1 = _sc_scatter(g.reshape(NP, 1, W), epack, zeros)
    g2 = _tc_layer1(parts1.reshape(NC, NP, W), g, dinv16, b1)
    parts2 = _sc_scatter(g2.reshape(NP, 1, W), epack, zeros)
    return _tc_layer2(parts2.reshape(NC, NP, W), g2, dinv16, W2, b2)

# --- scband reference (transcript-rebuilt; emitter-appended) ---
"""Pipeline reference for scband-gcn-35966056137205 (READ-ONLY COPY).

The authoritative reference and input builder live on the scoring server;
editing this copy changes nothing except your own understanding.
"""

import jax, jax.numpy as jnp
import numpy as np

N_NODES = 10000
IN_CH = 128
HID = 16
N_CLASSES = 40
N_EDGES = 320000


def _gcn_conv(x, src, dst, norm, W, b, num_nodes):
    h = x @ W
    msg = h[src] * norm[:, None]
    out = jnp.zeros((num_nodes, h.shape[1]), dtype=h.dtype).at[dst].add(msg)
    return out + b


def _norm_and_loops(edge_index, num_nodes):
    # add self loops and compute symmetric normalization D^{-1/2} (A+I) D^{-1/2}
    loop = jnp.arange(num_nodes, dtype=edge_index.dtype)
    src = jnp.concatenate([edge_index[0], loop])
    dst = jnp.concatenate([edge_index[1], loop])
    deg = jnp.zeros((num_nodes,), dtype=jnp.float32).at[dst].add(1.0)
    dinv = jnp.where(deg > 0, jax.lax.rsqrt(jnp.maximum(deg, 1e-12)), 0.0)
    norm = dinv[src] * dinv[dst]
    return src, dst, norm


def setup_inputs(seed: int = 0) -> dict:
    key = jax.random.key(seed)
    k1, k2, k3, k4, k5, k6 = jax.random.split(key, 6)
    x = jax.random.normal(k1, (N_NODES, IN_CH), dtype=jnp.float32)
    edge_index = jax.random.randint(k2, (2, N_EDGES), 0, N_NODES, dtype=jnp.int64)
    W1 = jax.random.normal(k3, (IN_CH, HID), dtype=jnp.float32) / np.sqrt(IN_CH)
    b1 = jnp.zeros((HID,), dtype=jnp.float32)
    W2 = jax.random.normal(k4, (HID, N_CLASSES), dtype=jnp.float32) / np.sqrt(HID)
    b2 = jnp.zeros((N_CLASSES,), dtype=jnp.float32)
    return {"x": x, "edge_index": edge_index, "W1": W1, "b1": b1, "W2": W2, "b2": b2}


def reference(x, edge_index, W1, b1, W2, b2):
    src, dst, norm = _norm_and_loops(edge_index, N_NODES)
    h = _gcn_conv(x, src, dst, norm, W1, b1, N_NODES)
    h = jax.nn.relu(h)
    out = _gcn_conv(h, src, dst, norm, W2, b2, N_NODES)
    return out

if __name__ == "__main__":
    import jax
    _d = setup_inputs()
    print(jax.jit(kernel)(*tuple(_d.values())))

</pallas_src>

<mosaic_0001>
#map = affine_map<(d0, d1) -> (0, 0, 0)>
#map1 = affine_map<(d0, d1) -> (0, 0, 0, 0)>
module attributes {stable_mosaic.version = 14 : i64} {
  func.func @k(%arg0: i32, %arg1: i32, %arg2: memref<10240x1x128xf32, #tpu.memory_space<hbm>>, %arg3: memref<32x128x2x80xi32, #tpu.memory_space<hbm>>, %arg4: memref<10240x1x128xf32, #tpu.memory_space<hbm>>, %arg5: memref<2x10240x1x128xf32, #tpu.memory_space<hbm>>, %arg6: memref<2x80xi32, #tpu.memory_space<vmem>>, %arg7: memref<2x80xi32, #tpu.memory_space<vmem>>, %arg8: memref<80x1x128xf32, #tpu.memory_space<vmem>>, %arg9: memref<80x1x128xf32, #tpu.memory_space<vmem>>, %arg10: memref<10240x1x128xf32, #tpu.memory_space<vmem_shared>>, %arg11: memref<!tpu.dma_semaphore, #tpu.memory_space<semaphore_mem>>, %arg12: memref<!tpu.dma_semaphore, #tpu.memory_space<semaphore_mem>>, %arg13: memref<!tpu.dma_semaphore, #tpu.memory_space<semaphore_mem>>, %arg14: memref<!tpu.dma_semaphore, #tpu.memory_space<semaphore_mem>>, %arg15: memref<!tpu.dma_semaphore, #tpu.memory_space<semaphore_mem>>, %arg16: memref<!tpu.dma_semaphore, #tpu.memory_space<semaphore_mem>>) attributes {dimension_semantics = [#tpu.dimension_semantics<core_parallel>, #tpu.dimension_semantics<subcore_parallel>], iteration_bounds = array<i64: 2, 16>, scalar_prefetch = 0 : i64, scratch_operands = 11 : i64, tpu.core_type = #tpu.core_type<sc_vector_subcore>, window_params = [{transform_indices = #map}, {transform_indices = #map1}, {transform_indices = #map}, {transform_indices = #map1}]} {
    %mul3A = arith.constant 16 : i32
    %mul3A_0 = arith.muli %arg0, %mul3A : i32
    %add3A = arith.addi %mul3A_0, %arg1 : i32
    %mul3A_1 = arith.constant 640 : i32
    %mul3A_2 = arith.muli %arg1, %mul3A_1 : i32
    "tpu.region"() ({
      %run_scoped3A = tpu.sem_alloc : memref<!tpu.dma_semaphore, #tpu.memory_space<semaphore_mem>>
      %dma_start3A_74 = arith.constant 0 : i32
      %dma_start3A_75 = arith.constant 0 : i32
      %dma_start3A_76 = tpu.memref_slice %arg10[%mul3A_2, %dma_start3A_74, %dma_start3A_75] : memref<10240x1x128xf32, #tpu.memory_space<vmem_shared>> -> memref<640x1x128xf32, #tpu.memory_space<vmem_shared>>
      %dma_start3A_77 = arith.constant 0 : i32
      %dma_start3A_78 = arith.constant 0 : i32
      %dma_start3A_79 = tpu.memref_slice %arg4[%mul3A_2, %dma_start3A_77, %dma_start3A_78] : memref<10240x1x128xf32, #tpu.memory_space<hbm>> -> memref<640x1x128xf32, #tpu.memory_space<hbm>>
      tpu.enqueue_dma source(%dma_start3A_79 : memref<640x1x128xf32, #tpu.memory_space<hbm>>) target(%dma_start3A_76 : memref<640x1x128xf32, #tpu.memory_space<vmem_shared>>) target_semaphore(%run_scoped3A : memref<!tpu.dma_semaphore, #tpu.memory_space<semaphore_mem>>)
      %dma_wait3A_80 = arith.constant 0 : i32
      %dma_wait3A_81 = arith.constant 0 : i32
      %dma_wait3A_82 = tpu.memref_slice %arg10[%mul3A_2, %dma_wait3A_80, %dma_wait3A_81] : memref<10240x1x128xf32, #tpu.memory_space<vmem_shared>> -> memref<640x1x128xf32, #tpu.memory_space<vmem_shared>>
      %dma_wait3A_83 = arith.constant 0 : i32
      %dma_wait3A_84 = arith.constant 0 : i32
      %dma_wait3A_85 = tpu.memref_slice %arg4[%mul3A_2, %dma_wait3A_83, %dma_wait3A_84] : memref<10240x1x128xf32, #tpu.memory_space<hbm>> -> memref<640x1x128xf32, #tpu.memory_space<hbm>>
      tpu.wait_dma2 semaphore(%run_scoped3A : memref<!tpu.dma_semaphore, #tpu.memory_space<semaphore_mem>>) src(%dma_wait3A_85 : memref<640x1x128xf32, #tpu.memory_space<hbm>>) dst(%dma_wait3A_82 : memref<640x1x128xf32, #tpu.memory_space<vmem_shared>>)
      tpu.yield
    }) : () -> ()
    %barrier3A = arith.constant 0 : index
    tpu.barrier barrier_id(%barrier3A)
    %dma_start3A = arith.constant 0 : i32
    %dma_start3A_3 = arith.constant 0 : i32
    %dma_start3A_4 = arith.constant 0 : i32
    %dma_start3A_5 = tpu.memref_slice %arg3[%add3A, %dma_start3A, %dma_start3A_3, %dma_start3A_4] : memref<32x128x2x80xi32, #tpu.memory_space<hbm>> -> memref<1x1x2x80xi32, #tpu.memory_space<hbm>>
    %dma_start3A_6 = tpu.memref_squeeze %dma_start3A_5 : memref<1x1x2x80xi32, #tpu.memory_space<hbm>> -> memref<2x80xi32, #tpu.memory_space<hbm>>
    %dma_start3A_7 = arith.constant 0 : i32
    %dma_start3A_8 = arith.constant 0 : i32
    %dma_start3A_9 = tpu.memref_slice %arg3[%add3A, %dma_start3A, %dma_start3A_7, %dma_start3A_8] : memref<32x128x2x80xi32, #tpu.memory_space<hbm>> -> memref<1x1x2x80xi32, #tpu.memory_space<hbm>>
    %dma_start3A_10 = tpu.memref_squeeze %dma_start3A_9 : memref<1x1x2x80xi32, #tpu.memory_space<hbm>> -> memref<2x80xi32, #tpu.memory_space<hbm>>
    tpu.enqueue_dma source(%dma_start3A_10 : memref<2x80xi32, #tpu.memory_space<hbm>>) target(%arg6 : memref<2x80xi32, #tpu.memory_space<vmem>>) target_semaphore(%arg11 : memref<!tpu.dma_semaphore, #tpu.memory_space<semaphore_mem>>)
    %dma_start3A_11 = arith.constant 1 : i32
    %dma_start3A_12 = arith.constant 0 : i32
    %dma_start3A_13 = arith.constant 0 : i32
    %dma_start3A_14 = tpu.memref_slice %arg3[%add3A, %dma_start3A_11, %dma_start3A_12, %dma_start3A_13] : memref<32x128x2x80xi32, #tpu.memory_space<hbm>> -> memref<1x1x2x80xi32, #tpu.memory_space<hbm>>
    %dma_start3A_15 = tpu.memref_squeeze %dma_start3A_14 : memref<1x1x2x80xi32, #tpu.memory_space<hbm>> -> memref<2x80xi32, #tpu.memory_space<hbm>>
    %dma_start3A_16 = arith.constant 0 : i32
    %dma_start3A_17 = arith.constant 0 : i32
    %dma_start3A_18 = tpu.memref_slice %arg3[%add3A, %dma_start3A_11, %dma_start3A_16, %dma_start3A_17] : memref<32x128x2x80xi32, #tpu.memory_space<hbm>> -> memref<1x1x2x80xi32, #tpu.memory_space<hbm>>
    %dma_start3A_19 = tpu.memref_squeeze %dma_start3A_18 : memref<1x1x2x80xi32, #tpu.memory_space<hbm>> -> memref<2x80xi32, #tpu.memory_space<hbm>>
    tpu.enqueue_dma source(%dma_start3A_19 : memref<2x80xi32, #tpu.memory_space<hbm>>) target(%arg7 : memref<2x80xi32, #tpu.memory_space<vmem>>) target_semaphore(%arg12 : memref<!tpu.dma_semaphore, #tpu.memory_space<semaphore_mem>>)
    %dma_wait3A = arith.constant 0 : i32
    %dma_wait3A_20 = arith.constant 0 : i32
    %dma_wait3A_21 = arith.constant 0 : i32
    %dma_wait3A_22 = tpu.memref_slice %arg3[%add3A, %dma_wait3A, %dma_wait3A_20, %dma_wait3A_21] : memref<32x128x2x80xi32, #tpu.memory_space<hbm>> -> memref<1x1x2x80xi32, #tpu.memory_space<hbm>>
    %dma_wait3A_23 = tpu.memref_squeeze %dma_wait3A_22 : memref<1x1x2x80xi32, #tpu.memory_space<hbm>> -> memref<2x80xi32, #tpu.memory_space<hbm>>
    %dma_wait3A_24 = arith.constant 0 : i32
    %dma_wait3A_25 = arith.constant 0 : i32
    %dma_wait3A_26 = tpu.memref_slice %arg3[%add3A, %dma_wait3A, %dma_wait3A_24, %dma_wait3A_25] : memref<32x128x2x80xi32, #tpu.memory_space<hbm>> -> memref<1x1x2x80xi32, #tpu.memory_space<hbm>>
    %dma_wait3A_27 = tpu.memref_squeeze %dma_wait3A_26 : memref<1x1x2x80xi32, #tpu.memory_space<hbm>> -> memref<2x80xi32, #tpu.memory_space<hbm>>
    tpu.wait_dma2 semaphore(%arg11 : memref<!tpu.dma_semaphore, #tpu.memory_space<semaphore_mem>>) src(%dma_wait3A_27 : memref<2x80xi32, #tpu.memory_space<hbm>>) dst(%arg6 : memref<2x80xi32, #tpu.memory_space<vmem>>)
    %dma_start3A_28 = arith.constant 0 : i32
    %dma_start3A_29 = arith.constant 0 : i32
    %dma_start3A_30 = tpu.memref_slice %arg6[%dma_start3A_28, %dma_start3A_29] : memref<2x80xi32, #tpu.memory_space<vmem>> -> memref<1x80xi32, #tpu.memory_space<vmem>>
    %dma_start3A_31 = tpu.memref_squeeze %dma_start3A_30 : memref<1x80xi32, #tpu.memory_space<vmem>> -> memref<80xi32, #tpu.memory_space<vmem>>
    %dma_start3A_32 = arith.constant 0 : i32
    %dma_start3A_33 = arith.constant 0 : i32
    %dma_start3A_34 = arith.constant 0 : i32
    %dma_start3A_35 = tpu.memref_slice %arg2[%dma_start3A_32, %dma_start3A_33, %dma_start3A_34] : memref<10240x1x128xf32, #tpu.memory_space<hbm>> -> memref<10240x1x128xf32, #tpu.memory_space<hbm>>
    tpu.enqueue_indirect_dma source(%dma_start3A_35 : memref<10240x1x128xf32, #tpu.memory_space<hbm>>) target(%arg8 : memref<80x1x128xf32, #tpu.memory_space<vmem>>) offsets(%dma_start3A_31 : memref<80xi32, #tpu.memory_space<vmem>>) semaphore(%arg13 : memref<!tpu.dma_semaphore, #tpu.memory_space<semaphore_mem>>)
    %dma_wait3A_36 = arith.constant 1 : i32
    %dma_wait3A_37 = arith.constant 0 : i32
    %dma_wait3A_38 = arith.constant 0 : i32
    %dma_wait3A_39 = tpu.memref_slice %arg3[%add3A, %dma_wait3A_36, %dma_wait3A_37, %dma_wait3A_38] : memref<32x128x2x80xi32, #tpu.memory_space<hbm>> -> memref<1x1x2x80xi32, #tpu.memory_space<hbm>>
    %dma_wait3A_40 = tpu.memref_squeeze %dma_wait3A_39 : memref<1x1x2x80xi32, #tpu.memory_space<hbm>> -> memref<2x80xi32, #tpu.memory_space<hbm>>
    %dma_wait3A_41 = arith.constant 0 : i32
    %dma_wait3A_42 = arith.constant 0 : i32
    %dma_wait3A_43 = tpu.memref_slice %arg3[%add3A, %dma_wait3A_36, %dma_wait3A_41, %dma_wait3A_42] : memref<32x128x2x80xi32, #tpu.memory_space<hbm>> -> memref<1x1x2x80xi32, #tpu.memory_space<hbm>>
    %dma_wait3A_44 = tpu.memref_squeeze %dma_wait3A_43 : memref<1x1x2x80xi32, #tpu.memory_space<hbm>> -> memref<2x80xi32, #tpu.memory_space<hbm>>
    tpu.wait_dma2 semaphore(%arg12 : memref<!tpu.dma_semaphore, #tpu.memory_space<semaphore_mem>>) src(%dma_wait3A_44 : memref<2x80xi32, #tpu.memory_space<hbm>>) dst(%arg7 : memref<2x80xi32, #tpu.memory_space<vmem>>)
    %dma_start3A_45 = arith.constant 0 : i32
    %dma_start3A_46 = arith.constant 0 : i32
    %dma_start3A_47 = tpu.memref_slice %arg7[%dma_start3A_45, %dma_start3A_46] : memref<2x80xi32, #tpu.memory_space<vmem>> -> memref<1x80xi32, #tpu.memory_space<vmem>>
    %dma_start3A_48 = tpu.memref_squeeze %dma_start3A_47 : memref<1x80xi32, #tpu.memory_space<vmem>> -> memref<80xi32, #tpu.memory_space<vmem>>
    %dma_start3A_49 = arith.constant 0 : i32
    %dma_start3A_50 = arith.constant 0 : i32
    %dma_start3A_51 = arith.constant 0 : i32
    %dma_start3A_52 = tpu.memref_slice %arg2[%dma_start3A_49, %dma_start3A_50, %dma_start3A_51] : memref<10240x1x128xf32, #tpu.memory_space<hbm>> -> memref<10240x1x128xf32, #tpu.memory_space<hbm>>
    tpu.enqueue_indirect_dma source(%dma_start3A_52 : memref<10240x1x128xf32, #tpu.memory_space<hbm>>) target(%arg9 : memref<80x1x128xf32, #tpu.memory_space<vmem>>) offsets(%dma_start3A_48 : memref<80xi32, #tpu.memory_space<vmem>>) semaphore(%arg14 : memref<!tpu.dma_semaphore, #tpu.memory_space<semaphore_mem>>)
    %scan3A = arith.constant 0 : i32
    %scan3A_53 = arith.constant 64 : i32
    %scan3A_54 = arith.addi %scan3A, %scan3A_53 : i32
    %scan3A_55 = arith.constant 1 : i32
    scf.for %scan3A_74 = %scan3A to %scan3A_54 step %scan3A_55  : i32 {
      %mul3A_75 = arith.constant 2 : i32
      %mul3A_76 = arith.muli %scan3A_74, %mul3A_75 : i32
      %add3A_77 = arith.constant 0 : i32
      %add3A_78 = arith.addi %add3A_77, %mul3A_76 : i32
      %add3A_79 = arith.constant 0 : i32
      %add3A_80 = arith.addi %add3A_78, %add3A_79 : i32
      %dma_wait3A_81 = arith.constant 0 : i32
      %dma_wait3A_82 = arith.constant 0 : i32
      %dma_wait3A_83 = tpu.memref_slice %arg6[%dma_wait3A_81, %dma_wait3A_82] : memref<2x80xi32, #tpu.memory_space<vmem>> -> memref<1x80xi32, #tpu.memory_space<vmem>>
      %dma_wait3A_84 = tpu.memref_squeeze %dma_wait3A_83 : memref<1x80xi32, #tpu.memory_space<vmem>> -> memref<80xi32, #tpu.memory_space<vmem>>
      %dma_wait3A_85 = arith.constant 0 : i32
      %dma_wait3A_86 = arith.constant 0 : i32
      %dma_wait3A_87 = arith.constant 0 : i32
      %dma_wait3A_88 = tpu.memref_slice %arg2[%dma_wait3A_85, %dma_wait3A_86, %dma_wait3A_87] : memref<10240x1x128xf32, #tpu.memory_space<hbm>> -> memref<10240x1x128xf32, #tpu.memory_space<hbm>>
      tpu.wait_indirect_dma semaphore(%arg13 : memref<!tpu.dma_semaphore, #tpu.memory_space<semaphore_mem>>) src(%dma_wait3A_88 : memref<10240x1x128xf32, #tpu.memory_space<hbm>>) dst(%arg8 : memref<80x1x128xf32, #tpu.memory_space<vmem>>)
      %dma_start3A_89 = arith.constant 1 : i32
      %dma_start3A_90 = arith.constant 0 : i32
      %dma_start3A_91 = tpu.memref_slice %arg6[%dma_start3A_89, %dma_start3A_90] : memref<2x80xi32, #tpu.memory_space<vmem>> -> memref<1x80xi32, #tpu.memory_space<vmem>>
      %dma_start3A_92 = tpu.memref_squeeze %dma_start3A_91 : memref<1x80xi32, #tpu.memory_space<vmem>> -> memref<80xi32, #tpu.memory_space<vmem>>
      %dma_start3A_93 = arith.constant 0 : i32
      %dma_start3A_94 = arith.constant 0 : i32
      %dma_start3A_95 = arith.constant 0 : i32
      %dma_start3A_96 = tpu.memref_slice %arg10[%dma_start3A_93, %dma_start3A_94, %dma_start3A_95] : memref<10240x1x128xf32, #tpu.memory_space<vmem_shared>> -> memref<10240x1x128xf32, #tpu.memory_space<vmem_shared>>
      tpu.enqueue_indirect_dma source(%arg8 : memref<80x1x128xf32, #tpu.memory_space<vmem>>) target(%dma_start3A_96 : memref<10240x1x128xf32, #tpu.memory_space<vmem_shared>>) offsets(%dma_start3A_92 : memref<80xi32, #tpu.memory_space<vmem>>) semaphore(%arg15 : memref<!tpu.dma_semaphore, #tpu.memory_space<semaphore_mem>>) {add = true}
      %add3A_97 = arith.constant 1 : i32
      %add3A_98 = arith.addi %add3A_78, %add3A_97 : i32
      %dma_wait3A_99 = arith.constant 0 : i32
      %dma_wait3A_100 = arith.constant 0 : i32
      %dma_wait3A_101 = tpu.memref_slice %arg7[%dma_wait3A_99, %dma_wait3A_100] : memref<2x80xi32, #tpu.memory_space<vmem>> -> memref<1x80xi32, #tpu.memory_space<vmem>>
      %dma_wait3A_102 = tpu.memref_squeeze %dma_wait3A_101 : memref<1x80xi32, #tpu.memory_space<vmem>> -> memref<80xi32, #tpu.memory_space<vmem>>
      %dma_wait3A_103 = arith.constant 0 : i32
      %dma_wait3A_104 = arith.constant 0 : i32
      %dma_wait3A_105 = arith.constant 0 : i32
      %dma_wait3A_106 = tpu.memref_slice %arg2[%dma_wait3A_103, %dma_wait3A_104, %dma_wait3A_105] : memref<10240x1x128xf32, #tpu.memory_space<hbm>> -> memref<10240x1x128xf32, #tpu.memory_space<hbm>>
      tpu.wait_indirect_dma semaphore(%arg14 : memref<!tpu.dma_semaphore, #tpu.memory_space<semaphore_mem>>) src(%dma_wait3A_106 : memref<10240x1x128xf32, #tpu.memory_space<hbm>>) dst(%arg9 : memref<80x1x128xf32, #tpu.memory_space<vmem>>)
      %dma_start3A_107 = arith.constant 1 : i32
      %dma_start3A_108 = arith.constant 0 : i32
      %dma_start3A_109 = tpu.memref_slice %arg7[%dma_start3A_107, %dma_start3A_108] : memref<2x80xi32, #tpu.memory_space<vmem>> -> memref<1x80xi32, #tpu.memory_space<vmem>>
      %dma_start3A_110 = tpu.memref_squeeze %dma_start3A_109 : memref<1x80xi32, #tpu.memory_space<vmem>> -> memref<80xi32, #tpu.memory_space<vmem>>
      %dma_start3A_111 = arith.constant 0 : i32
      %dma_start3A_112 = arith.constant 0 : i32
      %dma_start3A_113 = arith.constant 0 : i32
      %dma_start3A_114 = tpu.memref_slice %arg10[%dma_start3A_111, %dma_start3A_112, %dma_start3A_113] : memref<10240x1x128xf32, #tpu.memory_space<vmem_shared>> -> memref<10240x1x128xf32, #tpu.memory_space<vmem_shared>>
      tpu.enqueue_indirect_dma source(%arg9 : memref<80x1x128xf32, #tpu.memory_space<vmem>>) target(%dma_start3A_114 : memref<10240x1x128xf32, #tpu.memory_space<vmem_shared>>) offsets(%dma_start3A_110 : memref<80xi32, #tpu.memory_space<vmem>>) semaphore(%arg16 : memref<!tpu.dma_semaphore, #tpu.memory_space<semaphore_mem>>) {add = true}
      %add3A_115 = arith.constant 0 : i32
      %add3A_116 = arith.addi %add3A_78, %add3A_115 : i32
      %add3A_117 = arith.constant 2 : i32
      %add3A_118 = arith.addi %add3A_116, %add3A_117 : i32
      %lt3A = arith.constant 128 : i32
      %lt3A_119 = arith.cmpi slt, %add3A_118, %lt3A : i32
      %convert_element_type3A = arith.extui %lt3A_119 : i1 to i32
      %cond3A = arith.constant 0 : i32
      %cond3A_120 = arith.cmpi ne, %convert_element_type3A, %cond3A : i32
      scf.if %cond3A_120 {
        %dma_wait3A_148 = arith.constant 1 : i32
        %dma_wait3A_149 = arith.constant 0 : i32
        %dma_wait3A_150 = tpu.memref_slice %arg6[%dma_wait3A_148, %dma_wait3A_149] : memref<2x80xi32, #tpu.memory_space<vmem>> -> memref<1x80xi32, #tpu.memory_space<vmem>>
        %dma_wait3A_151 = tpu.memref_squeeze %dma_wait3A_150 : memref<1x80xi32, #tpu.memory_space<vmem>> -> memref<80xi32, #tpu.memory_space<vmem>>
        %dma_wait3A_152 = arith.constant 0 : i32
        %dma_wait3A_153 = arith.constant 0 : i32
        %dma_wait3A_154 = arith.constant 0 : i32
        %dma_wait3A_155 = tpu.memref_slice %arg10[%dma_wait3A_152, %dma_wait3A_153, %dma_wait3A_154] : memref<10240x1x128xf32, #tpu.memory_space<vmem_shared>> -> memref<10240x1x128xf32, #tpu.memory_space<vmem_shared>>
        tpu.wait_indirect_dma semaphore(%arg15 : memref<!tpu.dma_semaphore, #tpu.memory_space<semaphore_mem>>) src(%arg8 : memref<80x1x128xf32, #tpu.memory_space<vmem>>) dst(%dma_wait3A_155 : memref<10240x1x128xf32, #tpu.memory_space<vmem_shared>>)
        %add3A_156 = arith.constant 2 : i32
        %add3A_157 = arith.addi %add3A_116, %add3A_156 : i32
        %dma_start3A_158 = arith.constant 0 : i32
        %dma_start3A_159 = arith.constant 0 : i32
        %dma_start3A_160 = tpu.memref_slice %arg3[%add3A, %add3A_157, %dma_start3A_158, %dma_start3A_159] : memref<32x128x2x80xi32, #tpu.memory_space<hbm>> -> memref<1x1x2x80xi32, #tpu.memory_space<hbm>>
        %dma_start3A_161 = tpu.memref_squeeze %dma_start3A_160 : memref<1x1x2x80xi32, #tpu.memory_space<hbm>> -> memref<2x80xi32, #tpu.memory_space<hbm>>
        %dma_start3A_162 = arith.constant 0 : i32
        %dma_start3A_163 = arith.constant 0 : i32
        %dma_start3A_164 = tpu.memref_slice %arg3[%add3A, %add3A_157, %dma_start3A_162, %dma_start3A_163] : memref<32x128x2x80xi32, #tpu.memory_space<hbm>> -> memref<1x1x2x80xi32, #tpu.memory_space<hbm>>
        %dma_start3A_165 = tpu.memref_squeeze %dma_start3A_164 : memref<1x1x2x80xi32, #tpu.memory_space<hbm>> -> memref<2x80xi32, #tpu.memory_space<hbm>>
        tpu.enqueue_dma source(%dma_start3A_165 : memref<2x80xi32, #tpu.memory_space<hbm>>) target(%arg6 : memref<2x80xi32, #tpu.memory_space<vmem>>) target_semaphore(%arg11 : memref<!tpu.dma_semaphore, #tpu.memory_space<semaphore_mem>>)
      } else {
      }
      %add3A_121 = arith.constant 1 : i32
      %add3A_122 = arith.addi %add3A_78, %add3A_121 : i32
      %add3A_123 = arith.constant 2 : i32
      %add3A_124 = arith.addi %add3A_122, %add3A_123 : i32
      %lt3A_125 = arith.constant 128 : i32
      %lt3A_126 = arith.cmpi slt, %add3A_124, %lt3A_125 : i32
      %convert_element_type3A_127 = arith.extui %lt3A_126 : i1 to i32
      %cond3A_128 = arith.constant 0 : i32
      %cond3A_129 = arith.cmpi ne, %convert_element_type3A_127, %cond3A_128 : i32
      scf.if %cond3A_129 {
        %dma_wait3A_148 = arith.constant 1 : i32
        %dma_wait3A_149 = arith.constant 0 : i32
        %dma_wait3A_150 = tpu.memref_slice %arg7[%dma_wait3A_148, %dma_wait3A_149] : memref<2x80xi32, #tpu.memory_space<vmem>> -> memref<1x80xi32, #tpu.memory_space<vmem>>
        %dma_wait3A_151 = tpu.memref_squeeze %dma_wait3A_150 : memref<1x80xi32, #tpu.memory_space<vmem>> -> memref<80xi32, #tpu.memory_space<vmem>>
        %dma_wait3A_152 = arith.constant 0 : i32
        %dma_wait3A_153 = arith.constant 0 : i32
        %dma_wait3A_154 = arith.constant 0 : i32
        %dma_wait3A_155 = tpu.memref_slice %arg10[%dma_wait3A_152, %dma_wait3A_153, %dma_wait3A_154] : memref<10240x1x128xf32, #tpu.memory_space<vmem_shared>> -> memref<10240x1x128xf32, #tpu.memory_space<vmem_shared>>
        tpu.wait_indirect_dma semaphore(%arg16 : memref<!tpu.dma_semaphore, #tpu.memory_space<semaphore_mem>>) src(%arg9 : memref<80x1x128xf32, #tpu.memory_space<vmem>>) dst(%dma_wait3A_155 : memref<10240x1x128xf32, #tpu.memory_space<vmem_shared>>)
        %add3A_156 = arith.constant 2 : i32
        %add3A_157 = arith.addi %add3A_122, %add3A_156 : i32
        %dma_start3A_158 = arith.constant 0 : i32
        %dma_start3A_159 = arith.constant 0 : i32
        %dma_start3A_160 = tpu.memref_slice %arg3[%add3A, %add3A_157, %dma_start3A_158, %dma_start3A_159] : memref<32x128x2x80xi32, #tpu.memory_space<hbm>> -> memref<1x1x2x80xi32, #tpu.memory_space<hbm>>
        %dma_start3A_161 = tpu.memref_squeeze %dma_start3A_160 : memref<1x1x2x80xi32, #tpu.memory_space<hbm>> -> memref<2x80xi32, #tpu.memory_space<hbm>>
        %dma_start3A_162 = arith.constant 0 : i32
        %dma_start3A_163 = arith.constant 0 : i32
        %dma_start3A_164 = tpu.memref_slice %arg3[%add3A, %add3A_157, %dma_start3A_162, %dma_start3A_163] : memref<32x128x2x80xi32, #tpu.memory_space<hbm>> -> memref<1x1x2x80xi32, #tpu.memory_space<hbm>>
        %dma_start3A_165 = tpu.memref_squeeze %dma_start3A_164 : memref<1x1x2x80xi32, #tpu.memory_space<hbm>> -> memref<2x80xi32, #tpu.memory_space<hbm>>
        tpu.enqueue_dma source(%dma_start3A_165 : memref<2x80xi32, #tpu.memory_space<hbm>>) target(%arg7 : memref<2x80xi32, #tpu.memory_space<vmem>>) target_semaphore(%arg12 : memref<!tpu.dma_semaphore, #tpu.memory_space<semaphore_mem>>)
      } else {
      }
      %add3A_130 = arith.constant 0 : i32
      %add3A_131 = arith.addi %add3A_78, %add3A_130 : i32
      %add3A_132 = arith.constant 2 : i32
      %add3A_133 = arith.addi %add3A_131, %add3A_132 : i32
      %lt3A_134 = arith.constant 128 : i32
      %lt3A_135 = arith.cmpi slt, %add3A_133, %lt3A_134 : i32
      %convert_element_type3A_136 = arith.extui %lt3A_135 : i1 to i32
      %cond3A_137 = arith.constant 0 : i32
      %cond3A_138 = arith.cmpi ne, %convert_element_type3A_136, %cond3A_137 : i32
      scf.if %cond3A_138 {
        %add3A_148 = arith.constant 2 : i32
        %add3A_149 = arith.addi %add3A_131, %add3A_148 : i32
        %dma_wait3A_150 = arith.constant 0 : i32
        %dma_wait3A_151 = arith.constant 0 : i32
        %dma_wait3A_152 = tpu.memref_slice %arg3[%add3A, %add3A_149, %dma_wait3A_150, %dma_wait3A_151] : memref<32x128x2x80xi32, #tpu.memory_space<hbm>> -> memref<1x1x2x80xi32, #tpu.memory_space<hbm>>
        %dma_wait3A_153 = tpu.memref_squeeze %dma_wait3A_152 : memref<1x1x2x80xi32, #tpu.memory_space<hbm>> -> memref<2x80xi32, #tpu.memory_space<hbm>>
        %dma_wait3A_154 = arith.constant 0 : i32
        %dma_wait3A_155 = arith.constant 0 : i32
        %dma_wait3A_156 = tpu.memref_slice %arg3[%add3A, %add3A_149, %dma_wait3A_154, %dma_wait3A_155] : memref<32x128x2x80xi32, #tpu.memory_space<hbm>> -> memref<1x1x2x80xi32, #tpu.memory_space<hbm>>
        %dma_wait3A_157 = tpu.memref_squeeze %dma_wait3A_156 : memref<1x1x2x80xi32, #tpu.memory_space<hbm>> -> memref<2x80xi32, #tpu.memory_space<hbm>>
        tpu.wait_dma2 semaphore(%arg11 : memref<!tpu.dma_semaphore, #tpu.memory_space<semaphore_mem>>) src(%dma_wait3A_157 : memref<2x80xi32, #tpu.memory_space<hbm>>) dst(%arg6 : memref<2x80xi32, #tpu.memory_space<vmem>>)
        %dma_start3A_158 = arith.constant 0 : i32
        %dma_start3A_159 = arith.constant 0 : i32
        %dma_start3A_160 = tpu.memref_slice %arg6[%dma_start3A_158, %dma_start3A_159] : memref<2x80xi32, #tpu.memory_space<vmem>> -> memref<1x80xi32, #tpu.memory_space<vmem>>
        %dma_start3A_161 = tpu.memref_squeeze %dma_start3A_160 : memref<1x80xi32, #tpu.memory_space<vmem>> -> memref<80xi32, #tpu.memory_space<vmem>>
        %dma_start3A_162 = arith.constant 0 : i32
        %dma_start3A_163 = arith.constant 0 : i32
        %dma_start3A_164 = arith.constant 0 : i32
        %dma_start3A_165 = tpu.memref_slice %arg2[%dma_start3A_162, %dma_start3A_163, %dma_start3A_164] : memref<10240x1x128xf32, #tpu.memory_space<hbm>> -> memref<10240x1x128xf32, #tpu.memory_space<hbm>>
        tpu.enqueue_indirect_dma source(%dma_start3A_165 : memref<10240x1x128xf32, #tpu.memory_space<hbm>>) target(%arg8 : memref<80x1x128xf32, #tpu.memory_space<vmem>>) offsets(%dma_start3A_161 : memref<80xi32, #tpu.memory_space<vmem>>) semaphore(%arg13 : memref<!tpu.dma_semaphore, #tpu.memory_space<semaphore_mem>>)
      } else {
      }
      %add3A_139 = arith.constant 1 : i32
      %add3A_140 = arith.addi %add3A_78, %add3A_139 : i32
      %add3A_141 = arith.constant 2 : i32
      %add3A_142 = arith.addi %add3A_140, %add3A_141 : i32
      %lt3A_143 = arith.constant 128 : i32
      %lt3A_144 = arith.cmpi slt, %add3A_142, %lt3A_143 : i32
      %convert_element_type3A_145 = arith.extui %lt3A_144 : i1 to i32
      %cond3A_146 = arith.constant 0 : i32
      %cond3A_147 = arith.cmpi ne, %convert_element_type3A_145, %cond3A_146 : i32
      scf.if %cond3A_147 {
        %add3A_148 = arith.constant 2 : i32
        %add3A_149 = arith.addi %add3A_140, %add3A_148 : i32
        %dma_wait3A_150 = arith.constant 0 : i32
        %dma_wait3A_151 = arith.constant 0 : i32
        %dma_wait3A_152 = tpu.memref_slice %arg3[%add3A, %add3A_149, %dma_wait3A_150, %dma_wait3A_151] : memref<32x128x2x80xi32, #tpu.memory_space<hbm>> -> memref<1x1x2x80xi32, #tpu.memory_space<hbm>>
        %dma_wait3A_153 = tpu.memref_squeeze %dma_wait3A_152 : memref<1x1x2x80xi32, #tpu.memory_space<hbm>> -> memref<2x80xi32, #tpu.memory_space<hbm>>
        %dma_wait3A_154 = arith.constant 0 : i32
        %dma_wait3A_155 = arith.constant 0 : i32
        %dma_wait3A_156 = tpu.memref_slice %arg3[%add3A, %add3A_149, %dma_wait3A_154, %dma_wait3A_155] : memref<32x128x2x80xi32, #tpu.memory_space<hbm>> -> memref<1x1x2x80xi32, #tpu.memory_space<hbm>>
        %dma_wait3A_157 = tpu.memref_squeeze %dma_wait3A_156 : memref<1x1x2x80xi32, #tpu.memory_space<hbm>> -> memref<2x80xi32, #tpu.memory_space<hbm>>
        tpu.wait_dma2 semaphore(%arg12 : memref<!tpu.dma_semaphore, #tpu.memory_space<semaphore_mem>>) src(%dma_wait3A_157 : memref<2x80xi32, #tpu.memory_space<hbm>>) dst(%arg7 : memref<2x80xi32, #tpu.memory_space<vmem>>)
        %dma_start3A_158 = arith.constant 0 : i32
        %dma_start3A_159 = arith.constant 0 : i32
        %dma_start3A_160 = tpu.memref_slice %arg7[%dma_start3A_158, %dma_start3A_159] : memref<2x80xi32, #tpu.memory_space<vmem>> -> memref<1x80xi32, #tpu.memory_space<vmem>>
        %dma_start3A_161 = tpu.memref_squeeze %dma_start3A_160 : memref<1x80xi32, #tpu.memory_space<vmem>> -> memref<80xi32, #tpu.memory_space<vmem>>
        %dma_start3A_162 = arith.constant 0 : i32
        %dma_start3A_163 = arith.constant 0 : i32
        %dma_start3A_164 = arith.constant 0 : i32
        %dma_start3A_165 = tpu.memref_slice %arg2[%dma_start3A_162, %dma_start3A_163, %dma_start3A_164] : memref<10240x1x128xf32, #tpu.memory_space<hbm>> -> memref<10240x1x128xf32, #tpu.memory_space<hbm>>
        tpu.enqueue_indirect_dma source(%dma_start3A_165 : memref<10240x1x128xf32, #tpu.memory_space<hbm>>) target(%arg9 : memref<80x1x128xf32, #tpu.memory_space<vmem>>) offsets(%dma_start3A_161 : memref<80xi32, #tpu.memory_space<vmem>>) semaphore(%arg14 : memref<!tpu.dma_semaphore, #tpu.memory_space<semaphore_mem>>)
      } else {
      }
    }
    %scan3A_56 = arith.constant 64 : i32
    %dma_wait3A_57 = arith.constant 1 : i32
    %dma_wait3A_58 = arith.constant 0 : i32
    %dma_wait3A_59 = tpu.memref_slice %arg6[%dma_wait3A_57, %dma_wait3A_58] : memref<2x80xi32, #tpu.memory_space<vmem>> -> memref<1x80xi32, #tpu.memory_space<vmem>>
    %dma_wait3A_60 = tpu.memref_squeeze %dma_wait3A_59 : memref<1x80xi32, #tpu.memory_space<vmem>> -> memref<80xi32, #tpu.memory_space<vmem>>
    %dma_wait3A_61 = arith.constant 0 : i32
    %dma_wait3A_62 = arith.constant 0 : i32
    %dma_wait3A_63 = arith.constant 0 : i32
    %dma_wait3A_64 = tpu.memref_slice %arg10[%dma_wait3A_61, %dma_wait3A_62, %dma_wait3A_63] : memref<10240x1x128xf32, #tpu.memory_space<vmem_shared>> -> memref<10240x1x128xf32, #tpu.memory_space<vmem_shared>>
    tpu.wait_indirect_dma semaphore(%arg15 : memref<!tpu.dma_semaphore, #tpu.memory_space<semaphore_mem>>) src(%arg8 : memref<80x1x128xf32, #tpu.memory_space<vmem>>) dst(%dma_wait3A_64 : memref<10240x1x128xf32, #tpu.memory_space<vmem_shared>>)
    %dma_wait3A_65 = arith.constant 1 : i32
    %dma_wait3A_66 = arith.constant 0 : i32
    %dma_wait3A_67 = tpu.memref_slice %arg7[%dma_wait3A_65, %dma_wait3A_66] : memref<2x80xi32, #tpu.memory_space<vmem>> -> memref<1x80xi32, #tpu.memory_space<vmem>>
    %dma_wait3A_68 = tpu.memref_squeeze %dma_wait3A_67 : memref<1x80xi32, #tpu.memory_space<vmem>> -> memref<80xi32, #tpu.memory_space<vmem>>
    %dma_wait3A_69 = arith.constant 0 : i32
    %dma_wait3A_70 = arith.constant 0 : i32
    %dma_wait3A_71 = arith.constant 0 : i32
    %dma_wait3A_72 = tpu.memref_slice %arg10[%dma_wait3A_69, %dma_wait3A_70, %dma_wait3A_71] : memref<10240x1x128xf32, #tpu.memory_space<vmem_shared>> -> memref<10240x1x128xf32, #tpu.memory_space<vmem_shared>>
    tpu.wait_indirect_dma semaphore(%arg16 : memref<!tpu.dma_semaphore, #tpu.memory_space<semaphore_mem>>) src(%arg9 : memref<80x1x128xf32, #tpu.memory_space<vmem>>) dst(%dma_wait3A_72 : memref<10240x1x128xf32, #tpu.memory_space<vmem_shared>>)
    %barrier3A_73 = arith.constant 0 : index
    tpu.barrier barrier_id(%barrier3A_73)
    "tpu.region"() ({
      %run_scoped3A = tpu.sem_alloc : memref<!tpu.dma_semaphore, #tpu.memory_space<semaphore_mem>>
      %dma_start3A_74 = arith.constant 0 : i32
      %dma_start3A_75 = arith.constant 0 : i32
      %dma_start3A_76 = tpu.memref_slice %arg5[%arg0, %mul3A_2, %dma_start3A_74, %dma_start3A_75] : memref<2x10240x1x128xf32, #tpu.memory_space<hbm>> -> memref<1x640x1x128xf32, #tpu.memory_space<hbm>>
      %dma_start3A_77 = tpu.memref_squeeze %dma_start3A_76 : memref<1x640x1x128xf32, #tpu.memory_space<hbm>> -> memref<640x1x128xf32, #tpu.memory_space<hbm>>
      %dma_start3A_78 = arith.constant 0 : i32
      %dma_start3A_79 = arith.constant 0 : i32
      %dma_start3A_80 = tpu.memref_slice %arg10[%mul3A_2, %dma_start3A_78, %dma_start3A_79] : memref<10240x1x128xf32, #tpu.memory_space<vmem_shared>> -> memref<640x1x128xf32, #tpu.memory_space<vmem_shared>>
      tpu.enqueue_dma source(%dma_start3A_80 : memref<640x1x128xf32, #tpu.memory_space<vmem_shared>>) target(%dma_start3A_77 : memref<640x1x128xf32, #tpu.memory_space<hbm>>) target_semaphore(%run_scoped3A : memref<!tpu.dma_semaphore, #tpu.memory_space<semaphore_mem>>)
      %dma_wait3A_81 = arith.constant 0 : i32
      %dma_wait3A_82 = arith.constant 0 : i32
      %dma_wait3A_83 = tpu.memref_slice %arg5[%arg0, %mul3A_2, %dma_wait3A_81, %dma_wait3A_82] : memref<2x10240x1x128xf32, #tpu.memory_space<hbm>> -> memref<1x640x1x128xf32, #tpu.memory_space<hbm>>
      %dma_wait3A_84 = tpu.memref_squeeze %dma_wait3A_83 : memref<1x640x1x128xf32, #tpu.memory_space<hbm>> -> memref<640x1x128xf32, #tpu.memory_space<hbm>>
      %dma_wait3A_85 = arith.constant 0 : i32
      %dma_wait3A_86 = arith.constant 0 : i32
      %dma_wait3A_87 = tpu.memref_slice %arg10[%mul3A_2, %dma_wait3A_85, %dma_wait3A_86] : memref<10240x1x128xf32, #tpu.memory_space<vmem_shared>> -> memref<640x1x128xf32, #tpu.memory_space<vmem_shared>>
      tpu.wait_dma2 semaphore(%run_scoped3A : memref<!tpu.dma_semaphore, #tpu.memory_space<semaphore_mem>>) src(%dma_wait3A_87 : memref<640x1x128xf32, #tpu.memory_space<vmem_shared>>) dst(%dma_wait3A_84 : memref<640x1x128xf32, #tpu.memory_space<hbm>>)
      tpu.yield
    }) : () -> ()
    return
  }
}

#map = affine_map<(d0, d1) -> (0, 0, 0)>
#map1 = affine_map<(d0, d1) -> (0, 0, 0, 0)>
module attributes {stable_mosaic.version = 14 : i64} {
  func.func @k(%arg0: i32, %arg1: i32, %arg2: memref<10240x1x128xf32, #tpu.memory_space<hbm>>, %arg3: memref<32x128x2x80xi32, #tpu.memory_space<hbm>>, %arg4: memref<10240x1x128xf32, #tpu.memory_space<hbm>>, %arg5: memref<2x10240x1x128xf32, #tpu.memory_space<hbm>>, %arg6: memref<2x80xi32, #tpu.memory_space<vmem>>, %arg7: memref<2x80xi32, #tpu.memory_space<vmem>>, %arg8: memref<80x1x128xf32, #tpu.memory_space<vmem>>, %arg9: memref<80x1x128xf32, #tpu.memory_space<vmem>>, %arg10: memref<10240x1x128xf32, #tpu.memory_space<vmem_shared>>, %arg11: memref<!tpu.dma_semaphore, #tpu.memory_space<semaphore_mem>>, %arg12: memref<!tpu.dma_semaphore, #tpu.memory_space<semaphore_mem>>, %arg13: memref<!tpu.dma_semaphore, #tpu.memory_space<semaphore_mem>>, %arg14: memref<!tpu.dma_semaphore, #tpu.memory_space<semaphore_mem>>, %arg15: memref<!tpu.dma_semaphore, #tpu.memory_space<semaphore_mem>>, %arg16: memref<!tpu.dma_semaphore, #tpu.memory_space<semaphore_mem>>) attributes {dimension_semantics = [#tpu.dimension_semantics<core_parallel>, #tpu.dimension_semantics<subcore_parallel>], iteration_bounds = array<i64: 2, 16>, scalar_prefetch = 0 : i64, scratch_operands = 11 : i64, tpu.core_type = #tpu.core_type<sc_vector_subcore>, window_params = [{transform_indices = #map}, {transform_indices = #map1}, {transform_indices = #map}, {transform_indices = #map1}]} {
    %mul3A = arith.constant 16 : i32
    %mul3A_0 = arith.muli %arg0, %mul3A : i32
    %add3A = arith.addi %mul3A_0, %arg1 : i32
    %mul3A_1 = arith.constant 640 : i32
    %mul3A_2 = arith.muli %arg1, %mul3A_1 : i32
    "tpu.region"() ({
      %run_scoped3A = tpu.sem_alloc : memref<!tpu.dma_semaphore, #tpu.memory_space<semaphore_mem>>
      %dma_start3A_74 = arith.constant 0 : i32
      %dma_start3A_75 = arith.constant 0 : i32
      %dma_start3A_76 = tpu.memref_slice %arg10[%mul3A_2, %dma_start3A_74, %dma_start3A_75] : memref<10240x1x128xf32, #tpu.memory_space<vmem_shared>> -> memref<640x1x128xf32, #tpu.memory_space<vmem_shared>>
      %dma_start3A_77 = arith.constant 0 : i32
      %dma_start3A_78 = arith.constant 0 : i32
      %dma_start3A_79 = tpu.memref_slice %arg4[%mul3A_2, %dma_start3A_77, %dma_start3A_78] : memref<10240x1x128xf32, #tpu.memory_space<hbm>> -> memref<640x1x128xf32, #tpu.memory_space<hbm>>
      tpu.enqueue_dma source(%dma_start3A_79 : memref<640x1x128xf32, #tpu.memory_space<hbm>>) target(%dma_start3A_76 : memref<640x1x128xf32, #tpu.memory_space<vmem_shared>>) target_semaphore(%run_scoped3A : memref<!tpu.dma_semaphore, #tpu.memory_space<semaphore_mem>>)
      %dma_wait3A_80 = arith.constant 0 : i32
      %dma_wait3A_81 = arith.constant 0 : i32
      %dma_wait3A_82 = tpu.memref_slice %arg10[%mul3A_2, %dma_wait3A_80, %dma_wait3A_81] : memref<10240x1x128xf32, #tpu.memory_space<vmem_shared>> -> memref<640x1x128xf32, #tpu.memory_space<vmem_shared>>
      %dma_wait3A_83 = arith.constant 0 : i32
      %dma_wait3A_84 = arith.constant 0 : i32
      %dma_wait3A_85 = tpu.memref_slice %arg4[%mul3A_2, %dma_wait3A_83, %dma_wait3A_84] : memref<10240x1x128xf32, #tpu.memory_space<hbm>> -> memref<640x1x128xf32, #tpu.memory_space<hbm>>
      tpu.wait_dma2 semaphore(%run_scoped3A : memref<!tpu.dma_semaphore, #tpu.memory_space<semaphore_mem>>) src(%dma_wait3A_85 : memref<640x1x128xf32, #tpu.memory_space<hbm>>) dst(%dma_wait3A_82 : memref<640x1x128xf32, #tpu.memory_space<vmem_shared>>)
      tpu.yield
    }) : () -> ()
    %barrier3A = arith.constant 0 : index
    tpu.barrier barrier_id(%barrier3A)
    %dma_start3A = arith.constant 0 : i32
    %dma_start3A_3 = arith.constant 0 : i32
    %dma_start3A_4 = arith.constant 0 : i32
    %dma_start3A_5 = tpu.memref_slice %arg3[%add3A, %dma_start3A, %dma_start3A_3, %dma_start3A_4] : memref<32x128x2x80xi32, #tpu.memory_space<hbm>> -> memref<1x1x2x80xi32, #tpu.memory_space<hbm>>
    %dma_start3A_6 = tpu.memref_squeeze %dma_start3A_5 : memref<1x1x2x80xi32, #tpu.memory_space<hbm>> -> memref<2x80xi32, #tpu.memory_space<hbm>>
    %dma_start3A_7 = arith.constant 0 : i32
    %dma_start3A_8 = arith.constant 0 : i32
    %dma_start3A_9 = tpu.memref_slice %arg3[%add3A, %dma_start3A, %dma_start3A_7, %dma_start3A_8] : memref<32x128x2x80xi32, #tpu.memory_space<hbm>> -> memref<1x1x2x80xi32, #tpu.memory_space<hbm>>
    %dma_start3A_10 = tpu.memref_squeeze %dma_start3A_9 : memref<1x1x2x80xi32, #tpu.memory_space<hbm>> -> memref<2x80xi32, #tpu.memory_space<hbm>>
    tpu.enqueue_dma source(%dma_start3A_10 : memref<2x80xi32, #tpu.memory_space<hbm>>) target(%arg6 : memref<2x80xi32, #tpu.memory_space<vmem>>) target_semaphore(%arg11 : memref<!tpu.dma_semaphore, #tpu.memory_space<semaphore_mem>>)
    %dma_start3A_11 = arith.constant 1 : i32
    %dma_start3A_12 = arith.constant 0 : i32
    %dma_start3A_13 = arith.constant 0 : i32
    %dma_start3A_14 = tpu.memref_slice %arg3[%add3A, %dma_start3A_11, %dma_start3A_12, %dma_start3A_13] : memref<32x128x2x80xi32, #tpu.memory_space<hbm>> -> memref<1x1x2x80xi32, #tpu.memory_space<hbm>>
    %dma_start3A_15 = tpu.memref_squeeze %dma_start3A_14 : memref<1x1x2x80xi32, #tpu.memory_space<hbm>> -> memref<2x80xi32, #tpu.memory_space<hbm>>
    %dma_start3A_16 = arith.constant 0 : i32
    %dma_start3A_17 = arith.constant 0 : i32
    %dma_start3A_18 = tpu.memref_slice %arg3[%add3A, %dma_start3A_11, %dma_start3A_16, %dma_start3A_17] : memref<32x128x2x80xi32, #tpu.memory_space<hbm>> -> memref<1x1x2x80xi32, #tpu.memory_space<hbm>>
    %dma_start3A_19 = tpu.memref_squeeze %dma_start3A_18 : memref<1x1x2x80xi32, #tpu.memory_space<hbm>> -> memref<2x80xi32, #tpu.memory_space<hbm>>
    tpu.enqueue_dma source(%dma_start3A_19 : memref<2x80xi32, #tpu.memory_space<hbm>>) target(%arg7 : memref<2x80xi32, #tpu.memory_space<vmem>>) target_semaphore(%arg12 : memref<!tpu.dma_semaphore, #tpu.memory_space<semaphore_mem>>)
    %dma_wait3A = arith.constant 0 : i32
    %dma_wait3A_20 = arith.constant 0 : i32
    %dma_wait3A_21 = arith.constant 0 : i32
    %dma_wait3A_22 = tpu.memref_slice %arg3[%add3A, %dma_wait3A, %dma_wait3A_20, %dma_wait3A_21] : memref<32x128x2x80xi32, #tpu.memory_space<hbm>> -> memref<1x1x2x80xi32, #tpu.memory_space<hbm>>
    %dma_wait3A_23 = tpu.memref_squeeze %dma_wait3A_22 : memref<1x1x2x80xi32, #tpu.memory_space<hbm>> -> memref<2x80xi32, #tpu.memory_space<hbm>>
    %dma_wait3A_24 = arith.constant 0 : i32
    %dma_wait3A_25 = arith.constant 0 : i32
    %dma_wait3A_26 = tpu.memref_slice %arg3[%add3A, %dma_wait3A, %dma_wait3A_24, %dma_wait3A_25] : memref<32x128x2x80xi32, #tpu.memory_space<hbm>> -> memref<1x1x2x80xi32, #tpu.memory_space<hbm>>
    %dma_wait3A_27 = tpu.memref_squeeze %dma_wait3A_26 : memref<1x1x2x80xi32, #tpu.memory_space<hbm>> -> memref<2x80xi32, #tpu.memory_space<hbm>>
    tpu.wait_dma2 semaphore(%arg11 : memref<!tpu.dma_semaphore, #tpu.memory_space<semaphore_mem>>) src(%dma_wait3A_27 : memref<2x80xi32, #tpu.memory_space<hbm>>) dst(%arg6 : memref<2x80xi32, #tpu.memory_space<vmem>>)
    %dma_start3A_28 = arith.constant 0 : i32
    %dma_start3A_29 = arith.constant 0 : i32
    %dma_start3A_30 = tpu.memref_slice %arg6[%dma_start3A_28, %dma_start3A_29] : memref<2x80xi32, #tpu.memory_space<vmem>> -> memref<1x80xi32, #tpu.memory_space<vmem>>
    %dma_start3A_31 = tpu.memref_squeeze %dma_start3A_30 : memref<1x80xi32, #tpu.memory_space<vmem>> -> memref<80xi32, #tpu.memory_space<vmem>>
    %dma_start3A_32 = arith.constant 0 : i32
    %dma_start3A_33 = arith.constant 0 : i32
    %dma_start3A_34 = arith.constant 0 : i32
    %dma_start3A_35 = tpu.memref_slice %arg2[%dma_start3A_32, %dma_start3A_33, %dma_start3A_34] : memref<10240x1x128xf32, #tpu.memory_space<hbm>> -> memref<10240x1x128xf32, #tpu.memory_space<hbm>>
    tpu.enqueue_indirect_dma source(%dma_start3A_35 : memref<10240x1x128xf32, #tpu.memory_space<hbm>>) target(%arg8 : memref<80x1x128xf32, #tpu.memory_space<vmem>>) offsets(%dma_start3A_31 : memref<80xi32, #tpu.memory_space<vmem>>) semaphore(%arg13 : memref<!tpu.dma_semaphore, #tpu.memory_space<semaphore_mem>>)
    %dma_wait3A_36 = arith.constant 1 : i32
    %dma_wait3A_37 = arith.constant 0 : i32
    %dma_wait3A_38 = arith.constant 0 : i32
    %dma_wait3A_39 = tpu.memref_slice %arg3[%add3A, %dma_wait3A_36, %dma_wait3A_37, %dma_wait3A_38] : memref<32x128x2x80xi32, #tpu.memory_space<hbm>> -> memref<1x1x2x80xi32, #tpu.memory_space<hbm>>
    %dma_wait3A_40 = tpu.memref_squeeze %dma_wait3A_39 : memref<1x1x2x80xi32, #tpu.memory_space<hbm>> -> memref<2x80xi32, #tpu.memory_space<hbm>>
    %dma_wait3A_41 = arith.constant 0 : i32
    %dma_wait3A_42 = arith.constant 0 : i32
    %dma_wait3A_43 = tpu.memref_slice %arg3[%add3A, %dma_wait3A_36, %dma_wait3A_41, %dma_wait3A_42] : memref<32x128x2x80xi32, #tpu.memory_space<hbm>> -> memref<1x1x2x80xi32, #tpu.memory_space<hbm>>
    %dma_wait3A_44 = tpu.memref_squeeze %dma_wait3A_43 : memref<1x1x2x80xi32, #tpu.memory_space<hbm>> -> memref<2x80xi32, #tpu.memory_space<hbm>>
    tpu.wait_dma2 semaphore(%arg12 : memref<!tpu.dma_semaphore, #tpu.memory_space<semaphore_mem>>) src(%dma_wait3A_44 : memref<2x80xi32, #tpu.memory_space<hbm>>) dst(%arg7 : memref<2x80xi32, #tpu.memory_space<vmem>>)
    %dma_start3A_45 = arith.constant 0 : i32
    %dma_start3A_46 = arith.constant 0 : i32
    %dma_start3A_47 = tpu.memref_slice %arg7[%dma_start3A_45, %dma_start3A_46] : memref<2x80xi32, #tpu.memory_space<vmem>> -> memref<1x80xi32, #tpu.memory_space<vmem>>
    %dma_start3A_48 = tpu.memref_squeeze %dma_start3A_47 : memref<1x80xi32, #tpu.memory_space<vmem>> -> memref<80xi32, #tpu.memory_space<vmem>>
    %dma_start3A_49 = arith.constant 0 : i32
    %dma_start3A_50 = arith.constant 0 : i32
    %dma_start3A_51 = arith.constant 0 : i32
    %dma_start3A_52 = tpu.memref_slice %arg2[%dma_start3A_49, %dma_start3A_50, %dma_start3A_51] : memref<10240x1x128xf32, #tpu.memory_space<hbm>> -> memref<10240x1x128xf32, #tpu.memory_space<hbm>>
    tpu.enqueue_indirect_dma source(%dma_start3A_52 : memref<10240x1x128xf32, #tpu.memory_space<hbm>>) target(%arg9 : memref<80x1x128xf32, #tpu.memory_space<vmem>>) offsets(%dma_start3A_48 : memref<80xi32, #tpu.memory_space<vmem>>) semaphore(%arg14 : memref<!tpu.dma_semaphore, #tpu.memory_space<semaphore_mem>>)
    %scan3A = arith.constant 0 : i32
    %scan3A_53 = arith.constant 64 : i32
    %scan3A_54 = arith.addi %scan3A, %scan3A_53 : i32
    %scan3A_55 = arith.constant 1 : i32
    scf.for %scan3A_74 = %scan3A to %scan3A_54 step %scan3A_55  : i32 {
      %mul3A_75 = arith.constant 2 : i32
      %mul3A_76 = arith.muli %scan3A_74, %mul3A_75 : i32
      %add3A_77 = arith.constant 0 : i32
      %add3A_78 = arith.addi %add3A_77, %mul3A_76 : i32
      %add3A_79 = arith.constant 0 : i32
      %add3A_80 = arith.addi %add3A_78, %add3A_79 : i32
      %dma_wait3A_81 = arith.constant 0 : i32
      %dma_wait3A_82 = arith.constant 0 : i32
      %dma_wait3A_83 = tpu.memref_slice %arg6[%dma_wait3A_81, %dma_wait3A_82] : memref<2x80xi32, #tpu.memory_space<vmem>> -> memref<1x80xi32, #tpu.memory_space<vmem>>
      %dma_wait3A_84 = tpu.memref_squeeze %dma_wait3A_83 : memref<1x80xi32, #tpu.memory_space<vmem>> -> memref<80xi32, #tpu.memory_space<vmem>>
      %dma_wait3A_85 = arith.constant 0 : i32
      %dma_wait3A_86 = arith.constant 0 : i32
      %dma_wait3A_87 = arith.constant 0 : i32
      %dma_wait3A_88 = tpu.memref_slice %arg2[%dma_wait3A_85, %dma_wait3A_86, %dma_wait3A_87] : memref<10240x1x128xf32, #tpu.memory_space<hbm>> -> memref<10240x1x128xf32, #tpu.memory_space<hbm>>
      tpu.wait_indirect_dma semaphore(%arg13 : memref<!tpu.dma_semaphore, #tpu.memory_space<semaphore_mem>>) src(%dma_wait3A_88 : memref<10240x1x128xf32, #tpu.memory_space<hbm>>) dst(%arg8 : memref<80x1x128xf32, #tpu.memory_space<vmem>>)
      %dma_start3A_89 = arith.constant 1 : i32
      %dma_start3A_90 = arith.constant 0 : i32
      %dma_start3A_91 = tpu.memref_slice %arg6[%dma_start3A_89, %dma_start3A_90] : memref<2x80xi32, #tpu.memory_space<vmem>> -> memref<1x80xi32, #tpu.memory_space<vmem>>
      %dma_start3A_92 = tpu.memref_squeeze %dma_start3A_91 : memref<1x80xi32, #tpu.memory_space<vmem>> -> memref<80xi32, #tpu.memory_space<vmem>>
      %dma_start3A_93 = arith.constant 0 : i32
      %dma_start3A_94 = arith.constant 0 : i32
      %dma_start3A_95 = arith.constant 0 : i32
      %dma_start3A_96 = tpu.memref_slice %arg10[%dma_start3A_93, %dma_start3A_94, %dma_start3A_95] : memref<10240x1x128xf32, #tpu.memory_space<vmem_shared>> -> memref<10240x1x128xf32, #tpu.memory_space<vmem_shared>>
      tpu.enqueue_indirect_dma source(%arg8 : memref<80x1x128xf32, #tpu.memory_space<vmem>>) target(%dma_start3A_96 : memref<10240x1x128xf32, #tpu.memory_space<vmem_shared>>) offsets(%dma_start3A_92 : memref<80xi32, #tpu.memory_space<vmem>>) semaphore(%arg15 : memref<!tpu.dma_semaphore, #tpu.memory_space<semaphore_mem>>) {add = true}
      %add3A_97 = arith.constant 1 : i32
      %add3A_98 = arith.addi %add3A_78, %add3A_97 : i32
      %dma_wait3A_99 = arith.constant 0 : i32
      %dma_wait3A_100 = arith.constant 0 : i32
      %dma_wait3A_101 = tpu.memref_slice %arg7[%dma_wait3A_99, %dma_wait3A_100] : memref<2x80xi32, #tpu.memory_space<vmem>> -> memref<1x80xi32, #tpu.memory_space<vmem>>
      %dma_wait3A_102 = tpu.memref_squeeze %dma_wait3A_101 : memref<1x80xi32, #tpu.memory_space<vmem>> -> memref<80xi32, #tpu.memory_space<vmem>>
      %dma_wait3A_103 = arith.constant 0 : i32
      %dma_wait3A_104 = arith.constant 0 : i32
      %dma_wait3A_105 = arith.constant 0 : i32
      %dma_wait3A_106 = tpu.memref_slice %arg2[%dma_wait3A_103, %dma_wait3A_104, %dma_wait3A_105] : memref<10240x1x128xf32, #tpu.memory_space<hbm>> -> memref<10240x1x128xf32, #tpu.memory_space<hbm>>
      tpu.wait_indirect_dma semaphore(%arg14 : memref<!tpu.dma_semaphore, #tpu.memory_space<semaphore_mem>>) src(%dma_wait3A_106 : memref<10240x1x128xf32, #tpu.memory_space<hbm>>) dst(%arg9 : memref<80x1x128xf32, #tpu.memory_space<vmem>>)
      %dma_start3A_107 = arith.constant 1 : i32
      %dma_start3A_108 = arith.constant 0 : i32
      %dma_start3A_109 = tpu.memref_slice %arg7[%dma_start3A_107, %dma_start3A_108] : memref<2x80xi32, #tpu.memory_space<vmem>> -> memref<1x80xi32, #tpu.memory_space<vmem>>
      %dma_start3A_110 = tpu.memref_squeeze %dma_start3A_109 : memref<1x80xi32, #tpu.memory_space<vmem>> -> memref<80xi32, #tpu.memory_space<vmem>>
      %dma_start3A_111 = arith.constant 0 : i32
      %dma_start3A_112 = arith.constant 0 : i32
      %dma_start3A_113 = arith.constant 0 : i32
      %dma_start3A_114 = tpu.memref_slice %arg10[%dma_start3A_111, %dma_start3A_112, %dma_start3A_113] : memref<10240x1x128xf32, #tpu.memory_space<vmem_shared>> -> memref<10240x1x128xf32, #tpu.memory_space<vmem_shared>>
      tpu.enqueue_indirect_dma source(%arg9 : memref<80x1x128xf32, #tpu.memory_space<vmem>>) target(%dma_start3A_114 : memref<10240x1x128xf32, #tpu.memory_space<vmem_shared>>) offsets(%dma_start3A_110 : memref<80xi32, #tpu.memory_space<vmem>>) semaphore(%arg16 : memref<!tpu.dma_semaphore, #tpu.memory_space<semaphore_mem>>) {add = true}
      %add3A_115 = arith.constant 0 : i32
      %add3A_116 = arith.addi %add3A_78, %add3A_115 : i32
      %add3A_117 = arith.constant 2 : i32
      %add3A_118 = arith.addi %add3A_116, %add3A_117 : i32
      %lt3A = arith.constant 128 : i32
      %lt3A_119 = arith.cmpi slt, %add3A_118, %lt3A : i32
      %convert_element_type3A = arith.extui %lt3A_119 : i1 to i32
      %cond3A = arith.constant 0 : i32
      %cond3A_120 = arith.cmpi ne, %convert_element_type3A, %cond3A : i32
      scf.if %cond3A_120 {
        %dma_wait3A_148 = arith.constant 1 : i32
        %dma_wait3A_149 = arith.constant 0 : i32
        %dma_wait3A_150 = tpu.memref_slice %arg6[%dma_wait3A_148, %dma_wait3A_149] : memref<2x80xi32, #tpu.memory_space<vmem>> -> memref<1x80xi32, #tpu.memory_space<vmem>>
        %dma_wait3A_151 = tpu.memref_squeeze %dma_wait3A_150 : memref<1x80xi32, #tpu.memory_space<vmem>> -> memref<80xi32, #tpu.memory_space<vmem>>
        %dma_wait3A_152 = arith.constant 0 : i32
        %dma_wait3A_153 = arith.constant 0 : i32
        %dma_wait3A_154 = arith.constant 0 : i32
        %dma_wait3A_155 = tpu.memref_slice %arg10[%dma_wait3A_152, %dma_wait3A_153, %dma_wait3A_154] : memref<10240x1x128xf32, #tpu.memory_space<vmem_shared>> -> memref<10240x1x128xf32, #tpu.memory_space<vmem_shared>>
        tpu.wait_indirect_dma semaphore(%arg15 : memref<!tpu.dma_semaphore, #tpu.memory_space<semaphore_mem>>) src(%arg8 : memref<80x1x128xf32, #tpu.memory_space<vmem>>) dst(%dma_wait3A_155 : memref<10240x1x128xf32, #tpu.memory_space<vmem_shared>>)
        %add3A_156 = arith.constant 2 : i32
        %add3A_157 = arith.addi %add3A_116, %add3A_156 : i32
        %dma_start3A_158 = arith.constant 0 : i32
        %dma_start3A_159 = arith.constant 0 : i32
        %dma_start3A_160 = tpu.memref_slice %arg3[%add3A, %add3A_157, %dma_start3A_158, %dma_start3A_159] : memref<32x128x2x80xi32, #tpu.memory_space<hbm>> -> memref<1x1x2x80xi32, #tpu.memory_space<hbm>>
        %dma_start3A_161 = tpu.memref_squeeze %dma_start3A_160 : memref<1x1x2x80xi32, #tpu.memory_space<hbm>> -> memref<2x80xi32, #tpu.memory_space<hbm>>
        %dma_start3A_162 = arith.constant 0 : i32
        %dma_start3A_163 = arith.constant 0 : i32
        %dma_start3A_164 = tpu.memref_slice %arg3[%add3A, %add3A_157, %dma_start3A_162, %dma_start3A_163] : memref<32x128x2x80xi32, #tpu.memory_space<hbm>> -> memref<1x1x2x80xi32, #tpu.memory_space<hbm>>
        %dma_start3A_165 = tpu.memref_squeeze %dma_start3A_164 : memref<1x1x2x80xi32, #tpu.memory_space<hbm>> -> memref<2x80xi32, #tpu.memory_space<hbm>>
        tpu.enqueue_dma source(%dma_start3A_165 : memref<2x80xi32, #tpu.memory_space<hbm>>) target(%arg6 : memref<2x80xi32, #tpu.memory_space<vmem>>) target_semaphore(%arg11 : memref<!tpu.dma_semaphore, #tpu.memory_space<semaphore_mem>>)
      } else {
      }
      %add3A_121 = arith.constant 1 : i32
      %add3A_122 = arith.addi %add3A_78, %add3A_121 : i32
      %add3A_123 = arith.constant 2 : i32
      %add3A_124 = arith.addi %add3A_122, %add3A_123 : i32
      %lt3A_125 = arith.constant 128 : i32
      %lt3A_126 = arith.cmpi slt, %add3A_124, %lt3A_125 : i32
      %convert_element_type3A_127 = arith.extui %lt3A_126 : i1 to i32
      %cond3A_128 = arith.constant 0 : i32
      %cond3A_129 = arith.cmpi ne, %convert_element_type3A_127, %cond3A_128 : i32
      scf.if %cond3A_129 {
        %dma_wait3A_148 = arith.constant 1 : i32
        %dma_wait3A_149 = arith.constant 0 : i32
        %dma_wait3A_150 = tpu.memref_slice %arg7[%dma_wait3A_148, %dma_wait3A_149] : memref<2x80xi32, #tpu.memory_space<vmem>> -> memref<1x80xi32, #tpu.memory_space<vmem>>
        %dma_wait3A_151 = tpu.memref_squeeze %dma_wait3A_150 : memref<1x80xi32, #tpu.memory_space<vmem>> -> memref<80xi32, #tpu.memory_space<vmem>>
        %dma_wait3A_152 = arith.constant 0 : i32
        %dma_wait3A_153 = arith.constant 0 : i32
        %dma_wait3A_154 = arith.constant 0 : i32
        %dma_wait3A_155 = tpu.memref_slice %arg10[%dma_wait3A_152, %dma_wait3A_153, %dma_wait3A_154] : memref<10240x1x128xf32, #tpu.memory_space<vmem_shared>> -> memref<10240x1x128xf32, #tpu.memory_space<vmem_shared>>
        tpu.wait_indirect_dma semaphore(%arg16 : memref<!tpu.dma_semaphore, #tpu.memory_space<semaphore_mem>>) src(%arg9 : memref<80x1x128xf32, #tpu.memory_space<vmem>>) dst(%dma_wait3A_155 : memref<10240x1x128xf32, #tpu.memory_space<vmem_shared>>)
        %add3A_156 = arith.constant 2 : i32
        %add3A_157 = arith.addi %add3A_122, %add3A_156 : i32
        %dma_start3A_158 = arith.constant 0 : i32
        %dma_start3A_159 = arith.constant 0 : i32
        %dma_start3A_160 = tpu.memref_slice %arg3[%add3A, %add3A_157, %dma_start3A_158, %dma_start3A_159] : memref<32x128x2x80xi32, #tpu.memory_space<hbm>> -> memref<1x1x2x80xi32, #tpu.memory_space<hbm>>
        %dma_start3A_161 = tpu.memref_squeeze %dma_start3A_160 : memref<1x1x2x80xi32, #tpu.memory_space<hbm>> -> memref<2x80xi32, #tpu.memory_space<hbm>>
        %dma_start3A_162 = arith.constant 0 : i32
        %dma_start3A_163 = arith.constant 0 : i32
        %dma_start3A_164 = tpu.memref_slice %arg3[%add3A, %add3A_157, %dma_start3A_162, %dma_start3A_163] : memref<32x128x2x80xi32, #tpu.memory_space<hbm>> -> memref<1x1x2x80xi32, #tpu.memory_space<hbm>>
        %dma_start3A_165 = tpu.memref_squeeze %dma_start3A_164 : memref<1x1x2x80xi32, #tpu.memory_space<hbm>> -> memref<2x80xi32, #tpu.memory_space<hbm>>
        tpu.enqueue_dma source(%dma_start3A_165 : memref<2x80xi32, #tpu.memory_space<hbm>>) target(%arg7 : memref<2x80xi32, #tpu.memory_space<vmem>>) target_semaphore(%arg12 : memref<!tpu.dma_semaphore, #tpu.memory_space<semaphore_mem>>)
      } else {
      }
      %add3A_130 = arith.constant 0 : i32
      %add3A_131 = arith.addi %add3A_78, %add3A_130 : i32
      %add3A_132 = arith.constant 2 : i32
      %add3A_133 = arith.addi %add3A_131, %add3A_132 : i32
      %lt3A_134 = arith.constant 128 : i32
      %lt3A_135 = arith.cmpi slt, %add3A_133, %lt3A_134 : i32
      %convert_element_type3A_136 = arith.extui %lt3A_135 : i1 to i32
      %cond3A_137 = arith.constant 0 : i32
      %cond3A_138 = arith.cmpi ne, %convert_element_type3A_136, %cond3A_137 : i32
      scf.if %cond3A_138 {
        %add3A_148 = arith.constant 2 : i32
        %add3A_149 = arith.addi %add3A_131, %add3A_148 : i32
        %dma_wait3A_150 = arith.constant 0 : i32
        %dma_wait3A_151 = arith.constant 0 : i32
        %dma_wait3A_152 = tpu.memref_slice %arg3[%add3A, %add3A_149, %dma_wait3A_150, %dma_wait3A_151] : memref<32x128x2x80xi32, #tpu.memory_space<hbm>> -> memref<1x1x2x80xi32, #tpu.memory_space<hbm>>
        %dma_wait3A_153 = tpu.memref_squeeze %dma_wait3A_152 : memref<1x1x2x80xi32, #tpu.memory_space<hbm>> -> memref<2x80xi32, #tpu.memory_space<hbm>>
        %dma_wait3A_154 = arith.constant 0 : i32
        %dma_wait3A_155 = arith.constant 0 : i32
        %dma_wait3A_156 = tpu.memref_slice %arg3[%add3A, %add3A_149, %dma_wait3A_154, %dma_wait3A_155] : memref<32x128x2x80xi32, #tpu.memory_space<hbm>> -> memref<1x1x2x80xi32, #tpu.memory_space<hbm>>
        %dma_wait3A_157 = tpu.memref_squeeze %dma_wait3A_156 : memref<1x1x2x80xi32, #tpu.memory_space<hbm>> -> memref<2x80xi32, #tpu.memory_space<hbm>>
        tpu.wait_dma2 semaphore(%arg11 : memref<!tpu.dma_semaphore, #tpu.memory_space<semaphore_mem>>) src(%dma_wait3A_157 : memref<2x80xi32, #tpu.memory_space<hbm>>) dst(%arg6 : memref<2x80xi32, #tpu.memory_space<vmem>>)
        %dma_start3A_158 = arith.constant 0 : i32
        %dma_start3A_159 = arith.constant 0 : i32
        %dma_start3A_160 = tpu.memref_slice %arg6[%dma_start3A_158, %dma_start3A_159] : memref<2x80xi32, #tpu.memory_space<vmem>> -> memref<1x80xi32, #tpu.memory_space<vmem>>
        %dma_start3A_161 = tpu.memref_squeeze %dma_start3A_160 : memref<1x80xi32, #tpu.memory_space<vmem>> -> memref<80xi32, #tpu.memory_space<vmem>>
        %dma_start3A_162 = arith.constant 0 : i32
        %dma_start3A_163 = arith.constant 0 : i32
        %dma_start3A_164 = arith.constant 0 : i32
        %dma_start3A_165 = tpu.memref_slice %arg2[%dma_start3A_162, %dma_start3A_163, %dma_start3A_164] : memref<10240x1x128xf32, #tpu.memory_space<hbm>> -> memref<10240x1x128xf32, #tpu.memory_space<hbm>>
        tpu.enqueue_indirect_dma source(%dma_start3A_165 : memref<10240x1x128xf32, #tpu.memory_space<hbm>>) target(%arg8 : memref<80x1x128xf32, #tpu.memory_space<vmem>>) offsets(%dma_start3A_161 : memref<80xi32, #tpu.memory_space<vmem>>) semaphore(%arg13 : memref<!tpu.dma_semaphore, #tpu.memory_space<semaphore_mem>>)
      } else {
      }
      %add3A_139 = arith.constant 1 : i32
      %add3A_140 = arith.addi %add3A_78, %add3A_139 : i32
      %add3A_141 = arith.constant 2 : i32
      %add3A_142 = arith.addi %add3A_140, %add3A_141 : i32
      %lt3A_143 = arith.constant 128 : i32
      %lt3A_144 = arith.cmpi slt, %add3A_142, %lt3A_143 : i32
      %convert_element_type3A_145 = arith.extui %lt3A_144 : i1 to i32
      %cond3A_146 = arith.constant 0 : i32
      %cond3A_147 = arith.cmpi ne, %convert_element_type3A_145, %cond3A_146 : i32
      scf.if %cond3A_147 {
        %add3A_148 = arith.constant 2 : i32
        %add3A_149 = arith.addi %add3A_140, %add3A_148 : i32
        %dma_wait3A_150 = arith.constant 0 : i32
        %dma_wait3A_151 = arith.constant 0 : i32
        %dma_wait3A_152 = tpu.memref_slice %arg3[%add3A, %add3A_149, %dma_wait3A_150, %dma_wait3A_151] : memref<32x128x2x80xi32, #tpu.memory_space<hbm>> -> memref<1x1x2x80xi32, #tpu.memory_space<hbm>>
        %dma_wait3A_153 = tpu.memref_squeeze %dma_wait3A_152 : memref<1x1x2x80xi32, #tpu.memory_space<hbm>> -> memref<2x80xi32, #tpu.memory_space<hbm>>
        %dma_wait3A_154 = arith.constant 0 : i32
        %dma_wait3A_155 = arith.constant 0 : i32
        %dma_wait3A_156 = tpu.memref_slice %arg3[%add3A, %add3A_149, %dma_wait3A_154, %dma_wait3A_155] : memref<32x128x2x80xi32, #tpu.memory_space<hbm>> -> memref<1x1x2x80xi32, #tpu.memory_space<hbm>>
        %dma_wait3A_157 = tpu.memref_squeeze %dma_wait3A_156 : memref<1x1x2x80xi32, #tpu.memory_space<hbm>> -> memref<2x80xi32, #tpu.memory_space<hbm>>
        tpu.wait_dma2 semaphore(%arg12 : memref<!tpu.dma_semaphore, #tpu.memory_space<semaphore_mem>>) src(%dma_wait3A_157 : memref<2x80xi32, #tpu.memory_space<hbm>>) dst(%arg7 : memref<2x80xi32, #tpu.memory_space<vmem>>)
        %dma_start3A_158 = arith.constant 0 : i32
        %dma_start3A_159 = arith.constant 0 : i32
        %dma_start3A_160 = tpu.memref_slice %arg7[%dma_start3A_158, %dma_start3A_159] : memref<2x80xi32, #tpu.memory_space<vmem>> -> memref<1x80xi32, #tpu.memory_space<vmem>>
        %dma_start3A_161 = tpu.memref_squeeze %dma_start3A_160 : memref<1x80xi32, #tpu.memory_space<vmem>> -> memref<80xi32, #tpu.memory_space<vmem>>
        %dma_start3A_162 = arith.constant 0 : i32
        %dma_start3A_163 = arith.constant 0 : i32
        %dma_start3A_164 = arith.constant 0 : i32
        %dma_start3A_165 = tpu.memref_slice %arg2[%dma_start3A_162, %dma_start3A_163, %dma_start3A_164] : memref<10240x1x128xf32, #tpu.memory_space<hbm>> -> memref<10240x1x128xf32, #tpu.memory_space<hbm>>
        tpu.enqueue_indirect_dma source(%dma_start3A_165 : memref<10240x1x128xf32, #tpu.memory_space<hbm>>) target(%arg9 : memref<80x1x128xf32, #tpu.memory_space<vmem>>) offsets(%dma_start3A_161 : memref<80xi32, #tpu.memory_space<vmem>>) semaphore(%arg14 : memref<!tpu.dma_semaphore, #tpu.memory_space<semaphore_mem>>)
      } else {
      }
    }
    %scan3A_56 = arith.constant 64 : i32
    %dma_wait3A_57 = arith.constant 1 : i32
    %dma_wait3A_58 = arith.constant 0 : i32
    %dma_wait3A_59 = tpu.memref_slice %arg6[%dma_wait3A_57, %dma_wait3A_58] : memref<2x80xi32, #tpu.memory_space<vmem>> -> memref<1x80xi32, #tpu.memory_space<vmem>>
    %dma_wait3A_60 = tpu.memref_squeeze %dma_wait3A_59 : memref<1x80xi32, #tpu.memory_space<vmem>> -> memref<80xi32, #tpu.memory_space<vmem>>
    %dma_wait3A_61 = arith.constant 0 : i32
    %dma_wait3A_62 = arith.constant 0 : i32
    %dma_wait3A_63 = arith.constant 0 : i32
    %dma_wait3A_64 = tpu.memref_slice %arg10[%dma_wait3A_61, %dma_wait3A_62, %dma_wait3A_63] : memref<10240x1x128xf32, #tpu.memory_space<vmem_shared>> -> memref<10240x1x128xf32, #tpu.memory_space<vmem_shared>>
    tpu.wait_indirect_dma semaphore(%arg15 : memref<!tpu.dma_semaphore, #tpu.memory_space<semaphore_mem>>) src(%arg8 : memref<80x1x128xf32, #tpu.memory_space<vmem>>) dst(%dma_wait3A_64 : memref<10240x1x128xf32, #tpu.memory_space<vmem_shared>>)
    %dma_wait3A_65 = arith.constant 1 : i32
    %dma_wait3A_66 = arith.constant 0 : i32
    %dma_wait3A_67 = tpu.memref_slice %arg7[%dma_wait3A_65, %dma_wait3A_66] : memref<2x80xi32, #tpu.memory_space<vmem>> -> memref<1x80xi32, #tpu.memory_space<vmem>>
    %dma_wait3A_68 = tpu.memref_squeeze %dma_wait3A_67 : memref<1x80xi32, #tpu.memory_space<vmem>> -> memref<80xi32, #tpu.memory_space<vmem>>
    %dma_wait3A_69 = arith.constant 0 : i32
    %dma_wait3A_70 = arith.constant 0 : i32
    %dma_wait3A_71 = arith.constant 0 : i32
    %dma_wait3A_72 = tpu.memref_slice %arg10[%dma_wait3A_69, %dma_wait3A_70, %dma_wait3A_71] : memref<10240x1x128xf32, #tpu.memory_space<vmem_shared>> -> memref<10240x1x128xf32, #tpu.memory_space<vmem_shared>>
    tpu.wait_indirect_dma semaphore(%arg16 : memref<!tpu.dma_semaphore, #tpu.memory_space<semaphore_mem>>) src(%arg9 : memref<80x1x128xf32, #tpu.memory_space<vmem>>) dst(%dma_wait3A_72 : memref<10240x1x128xf32, #tpu.memory_space<vmem_shared>>)
    %barrier3A_73 = arith.constant 0 : index
    tpu.barrier barrier_id(%barrier3A_73)
    "tpu.region"() ({
      %run_scoped3A = tpu.sem_alloc : memref<!tpu.dma_semaphore, #tpu.memory_space<semaphore_mem>>
      %dma_start3A_74 = arith.constant 0 : i32
      %dma_start3A_75 = arith.constant 0 : i32
      %dma_start3A_76 = tpu.memref_slice %arg5[%arg0, %mul3A_2, %dma_start3A_74, %dma_start3A_75] : memref<2x10240x1x128xf32, #tpu.memory_space<hbm>> -> memref<1x640x1x128xf32, #tpu.memory_space<hbm>>
      %dma_start3A_77 = tpu.memref_squeeze %dma_start3A_76 : memref<1x640x1x128xf32, #tpu.memory_space<hbm>> -> memref<640x1x128xf32, #tpu.memory_space<hbm>>
      %dma_start3A_78 = arith.constant 0 : i32
      %dma_start3A_79 = arith.constant 0 : i32
      %dma_start3A_80 = tpu.memref_slice %arg10[%mul3A_2, %dma_start3A_78, %dma_start3A_79] : memref<10240x1x128xf32, #tpu.memory_space<vmem_shared>> -> memref<640x1x128xf32, #tpu.memory_space<vmem_shared>>
      tpu.enqueue_dma source(%dma_start3A_80 : memref<640x1x128xf32, #tpu.memory_space<vmem_shared>>) target(%dma_start3A_77 : memref<640x1x128xf32, #tpu.memory_space<hbm>>) target_semaphore(%run_scoped3A : memref<!tpu.dma_semaphore, #tpu.memory_space<semaphore_mem>>)
      %dma_wait3A_81 = arith.constant 0 : i32
      %dma_wait3A_82 = arith.constant 0 : i32
      %dma_wait3A_83 = tpu.memref_slice %arg5[%arg0, %mul3A_2, %dma_wait3A_81, %dma_wait3A_82] : memref<2x10240x1x128xf32, #tpu.memory_space<hbm>> -> memref<1x640x1x128xf32, #tpu.memory_space<hbm>>
      %dma_wait3A_84 = tpu.memref_squeeze %dma_wait3A_83 : memref<1x640x1x128xf32, #tpu.memory_space<hbm>> -> memref<640x1x128xf32, #tpu.memory_space<hbm>>
      %dma_wait3A_85 = arith.constant 0 : i32
      %dma_wait3A_86 = arith.constant 0 : i32
      %dma_wait3A_87 = tpu.memref_slice %arg10[%mul3A_2, %dma_wait3A_85, %dma_wait3A_86] : memref<10240x1x128xf32, #tpu.memory_space<vmem_shared>> -> memref<640x1x128xf32, #tpu.memory_space<vmem_shared>>
      tpu.wait_dma2 semaphore(%run_scoped3A : memref<!tpu.dma_semaphore, #tpu.memory_space<semaphore_mem>>) src(%dma_wait3A_87 : memref<640x1x128xf32, #tpu.memory_space<vmem_shared>>) dst(%dma_wait3A_84 : memref<640x1x128xf32, #tpu.memory_space<hbm>>)
      tpu.yield
    }) : () -> ()
    return
  }
}

#map = affine_map<(d0, d1) -> (0, 0, 0, 0)>
#map1 = affine_map<(d0, d1) -> (0, 0, 0)>
module attributes {stable_mosaic.version = 14 : i64} {
  func.func @k(%arg0: i32, %arg1: i32, %arg2: memref<32x128x2x80xi32, #tpu.memory_space<hbm>>, %arg3: memref<80x1x128xf32, #tpu.memory_space<hbm>>, %arg4: memref<10240x1x128xf32, #tpu.memory_space<hbm>>, %arg5: memref<2x10240x1x128xf32, #tpu.memory_space<hbm>>, %arg6: memref<80x1x128xf32, #tpu.memory_space<vmem>>, %arg7: memref<80xi32, #tpu.memory_space<vmem>>, %arg8: memref<80xi32, #tpu.memory_space<vmem>>, %arg9: memref<80xi32, #tpu.memory_space<vmem>>, %arg10: memref<80xi32, #tpu.memory_space<vmem>>, %arg11: memref<80xi32, #tpu.memory_space<vmem>>, %arg12: memref<80xi32, #tpu.memory_space<vmem>>, %arg13: memref<80xi32, #tpu.memory_space<vmem>>, %arg14: memref<80xi32, #tpu.memory_space<vmem>>, %arg15: memref<10240x1x128xf32, #tpu.memory_space<vmem_shared>>, %arg16: memref<!tpu.dma_semaphore, #tpu.memory_space<semaphore_mem>>, %arg17: memref<!tpu.dma_semaphore, #tpu.memory_space<semaphore_mem>>, %arg18: memref<!tpu.dma_semaphore, #tpu.memory_space<semaphore_mem>>, %arg19: memref<!tpu.dma_semaphore, #tpu.memory_space<semaphore_mem>>, %arg20: memref<!tpu.dma_semaphore, #tpu.memory_space<semaphore_mem>>, %arg21: memref<!tpu.dma_semaphore, #tpu.memory_space<semaphore_mem>>, %arg22: memref<!tpu.dma_semaphore, #tpu.memory_space<semaphore_mem>>, %arg23: memref<!tpu.dma_semaphore, #tpu.memory_space<semaphore_mem>>, %arg24: memref<!tpu.dma_semaphore, #tpu.memory_space<semaphore_mem>>, %arg25: memref<!tpu.dma_semaphore, #tpu.memory_space<semaphore_mem>>, %arg26: memref<!tpu.dma_semaphore, #tpu.memory_space<semaphore_mem>>, %arg27: memref<!tpu.dma_semaphore, #tpu.memory_space<semaphore_mem>>, %arg28: memref<!tpu.dma_semaphore, #tpu.memory_space<semaphore_mem>>, %arg29: memref<!tpu.dma_semaphore, #tpu.memory_space<semaphore_mem>>, %arg30: memref<!tpu.dma_semaphore, #tpu.memory_space<semaphore_mem>>, %arg31: memref<!tpu.dma_semaphore, #tpu.memory_space<semaphore_mem>>) attributes {dimension_semantics = [#tpu.dimension_semantics<core_parallel>, #tpu.dimension_semantics<subcore_parallel>], iteration_bounds = array<i64: 2, 16>, scalar_prefetch = 0 : i64, scratch_operands = 26 : i64, tpu.core_type = #tpu.core_type<sc_vector_subcore>, window_params = [{transform_indices = #map}, {transform_indices = #map1}, {transform_indices = #map1}, {transform_indices = #map}]} {
    %mul3A = arith.constant 16 : i32
    %mul3A_0 = arith.muli %arg0, %mul3A : i32
    %add3A = arith.addi %mul3A_0, %arg1 : i32
    %mul3A_1 = arith.constant 640 : i32
    %mul3A_2 = arith.muli %arg1, %mul3A_1 : i32
    "tpu.region"() ({
      %run_scoped3A = tpu.sem_alloc : memref<!tpu.dma_semaphore, #tpu.memory_space<semaphore_mem>>
      tpu.enqueue_dma source(%arg3 : memref<80x1x128xf32, #tpu.memory_space<hbm>>) target(%arg6 : memref<80x1x128xf32, #tpu.memory_space<vmem>>) target_semaphore(%run_scoped3A : memref<!tpu.dma_semaphore, #tpu.memory_space<semaphore_mem>>)
      tpu.wait_dma2 semaphore(%run_scoped3A : memref<!tpu.dma_semaphore, #tpu.memory_space<semaphore_mem>>) src(%arg3 : memref<80x1x128xf32, #tpu.memory_space<hbm>>) dst(%arg6 : memref<80x1x128xf32, #tpu.memory_space<vmem>>)
      tpu.yield
    }) : () -> ()
    "tpu.region"() ({
      %run_scoped3A = tpu.sem_alloc : memref<!tpu.dma_semaphore, #tpu.memory_space<semaphore_mem>>
      %dma_start3A_102 = arith.constant 0 : i32
      %dma_start3A_103 = arith.constant 0 : i32
      %dma_start3A_104 = tpu.memref_slice %arg15[%mul3A_2, %dma_start3A_102, %dma_start3A_103] : memref<10240x1x128xf32, #tpu.memory_space<vmem_shared>> -> memref<640x1x128xf32, #tpu.memory_space<vmem_shared>>
      %dma_start3A_105 = arith.constant 0 : i32
      %dma_start3A_106 = arith.constant 0 : i32
      %dma_start3A_107 = tpu.memref_slice %arg4[%mul3A_2, %dma_start3A_105, %dma_start3A_106] : memref<10240x1x128xf32, #tpu.memory_space<hbm>> -> memref<640x1x128xf32, #tpu.memory_space<hbm>>
      tpu.enqueue_dma source(%dma_start3A_107 : memref<640x1x128xf32, #tpu.memory_space<hbm>>) target(%dma_start3A_104 : memref<640x1x128xf32, #tpu.memory_space<vmem_shared>>) target_semaphore(%run_scoped3A : memref<!tpu.dma_semaphore, #tpu.memory_space<semaphore_mem>>)
      %dma_wait3A_108 = arith.constant 0 : i32
      %dma_wait3A_109 = arith.constant 0 : i32
      %dma_wait3A_110 = tpu.memref_slice %arg15[%mul3A_2, %dma_wait3A_108, %dma_wait3A_109] : memref<10240x1x128xf32, #tpu.memory_space<vmem_shared>> -> memref<640x1x128xf32, #tpu.memory_space<vmem_shared>>
      %dma_wait3A_111 = arith.constant 0 : i32
      %dma_wait3A_112 = arith.constant 0 : i32
      %dma_wait3A_113 = tpu.memref_slice %arg4[%mul3A_2, %dma_wait3A_111, %dma_wait3A_112] : memref<10240x1x128xf32, #tpu.memory_space<hbm>> -> memref<640x1x128xf32, #tpu.memory_space<hbm>>
      tpu.wait_dma2 semaphore(%run_scoped3A : memref<!tpu.dma_semaphore, #tpu.memory_space<semaphore_mem>>) src(%dma_wait3A_113 : memref<640x1x128xf32, #tpu.memory_space<hbm>>) dst(%dma_wait3A_110 : memref<640x1x128xf32, #tpu.memory_space<vmem_shared>>)
      tpu.yield
    }) : () -> ()
    %barrier3A = arith.constant 0 : index
    tpu.barrier barrier_id(%barrier3A)
    %dma_start3A = arith.constant 0 : i32
    %dma_start3A_3 = arith.constant 1 : i32
    %dma_start3A_4 = arith.constant 0 : i32
    %dma_start3A_5 = tpu.memref_slice %arg2[%add3A, %dma_start3A, %dma_start3A_3, %dma_start3A_4] : memref<32x128x2x80xi32, #tpu.memory_space<hbm>> -> memref<1x1x1x80xi32, #tpu.memory_space<hbm>>
    %dma_start3A_6 = tpu.memref_squeeze %dma_start3A_5 : memref<1x1x1x80xi32, #tpu.memory_space<hbm>> -> memref<80xi32, #tpu.memory_space<hbm>>
    %dma_start3A_7 = arith.constant 0 : i32
    %dma_start3A_8 = tpu.memref_slice %arg2[%add3A, %dma_start3A, %dma_start3A_3, %dma_start3A_7] : memref<32x128x2x80xi32, #tpu.memory_space<hbm>> -> memref<1x1x1x80xi32, #tpu.memory_space<hbm>>
    %dma_start3A_9 = tpu.memref_squeeze %dma_start3A_8 : memref<1x1x1x80xi32, #tpu.memory_space<hbm>> -> memref<80xi32, #tpu.memory_space<hbm>>
    tpu.enqueue_dma source(%dma_start3A_9 : memref<80xi32, #tpu.memory_space<hbm>>) target(%arg7 : memref<80xi32, #tpu.memory_space<vmem>>) target_semaphore(%arg16 : memref<!tpu.dma_semaphore, #tpu.memory_space<semaphore_mem>>)
    %dma_start3A_10 = arith.constant 1 : i32
    %dma_start3A_11 = arith.constant 1 : i32
    %dma_start3A_12 = arith.constant 0 : i32
    %dma_start3A_13 = tpu.memref_slice %arg2[%add3A, %dma_start3A_10, %dma_start3A_11, %dma_start3A_12] : memref<32x128x2x80xi32, #tpu.memory_space<hbm>> -> memref<1x1x1x80xi32, #tpu.memory_space<hbm>>
    %dma_start3A_14 = tpu.memref_squeeze %dma_start3A_13 : memref<1x1x1x80xi32, #tpu.memory_space<hbm>> -> memref<80xi32, #tpu.memory_space<hbm>>
    %dma_start3A_15 = arith.constant 0 : i32
    %dma_start3A_16 = tpu.memref_slice %arg2[%add3A, %dma_start3A_10, %dma_start3A_11, %dma_start3A_15] : memref<32x128x2x80xi32, #tpu.memory_space<hbm>> -> memref<1x1x1x80xi32, #tpu.memory_space<hbm>>
    %dma_start3A_17 = tpu.memref_squeeze %dma_start3A_16 : memref<1x1x1x80xi32, #tpu.memory_space<hbm>> -> memref<80xi32, #tpu.memory_space<hbm>>
    tpu.enqueue_dma source(%dma_start3A_17 : memref<80xi32, #tpu.memory_space<hbm>>) target(%arg8 : memref<80xi32, #tpu.memory_space<vmem>>) target_semaphore(%arg17 : memref<!tpu.dma_semaphore, #tpu.memory_space<semaphore_mem>>)
    %dma_start3A_18 = arith.constant 2 : i32
    %dma_start3A_19 = arith.constant 1 : i32
    %dma_start3A_20 = arith.constant 0 : i32
    %dma_start3A_21 = tpu.memref_slice %arg2[%add3A, %dma_start3A_18, %dma_start3A_19, %dma_start3A_20] : memref<32x128x2x80xi32, #tpu.memory_space<hbm>> -> memref<1x1x1x80xi32, #tpu.memory_space<hbm>>
    %dma_start3A_22 = tpu.memref_squeeze %dma_start3A_21 : memref<1x1x1x80xi32, #tpu.memory_space<hbm>> -> memref<80xi32, #tpu.memory_space<hbm>>
    %dma_start3A_23 = arith.constant 0 : i32
    %dma_start3A_24 = tpu.memref_slice %arg2[%add3A, %dma_start3A_18, %dma_start3A_19, %dma_start3A_23] : memref<32x128x2x80xi32, #tpu.memory_space<hbm>> -> memref<1x1x1x80xi32, #tpu.memory_space<hbm>>
    %dma_start3A_25 = tpu.memref_squeeze %dma_start3A_24 : memref<1x1x1x80xi32, #tpu.memory_space<hbm>> -> memref<80xi32, #tpu.memory_space<hbm>>
    tpu.enqueue_dma source(%dma_start3A_25 : memref<80xi32, #tpu.memory_space<hbm>>) target(%arg9 : memref<80xi32, #tpu.memory_space<vmem>>) target_semaphore(%arg18 : memref<!tpu.dma_semaphore, #tpu.memory_space<semaphore_mem>>)
    %dma_start3A_26 = arith.constant 3 : i32
    %dma_start3A_27 = arith.constant 1 : i32
    %dma_start3A_28 = arith.constant 0 : i32
    %dma_start3A_29 = tpu.memref_slice %arg2[%add3A, %dma_start3A_26, %dma_start3A_27, %dma_start3A_28] : memref<32x128x2x80xi32, #tpu.memory_space<hbm>> -> memref<1x1x1x80xi32, #tpu.memory_space<hbm>>
    %dma_start3A_30 = tpu.memref_squeeze %dma_start3A_29 : memref<1x1x1x80xi32, #tpu.memory_space<hbm>> -> memref<80xi32, #tpu.memory_space<hbm>>
    %dma_start3A_31 = arith.constant 0 : i32
    %dma_start3A_32 = tpu.memref_slice %arg2[%add3A, %dma_start3A_26, %dma_start3A_27, %dma_start3A_31] : memref<32x128x2x80xi32, #tpu.memory_space<hbm>> -> memref<1x1x1x80xi32, #tpu.memory_space<hbm>>
    %dma_start3A_33 = tpu.memref_squeeze %dma_start3A_32 : memref<1x1x1x80xi32, #tpu.memory_space<hbm>> -> memref<80xi32, #tpu.memory_space<hbm>>
    tpu.enqueue_dma source(%dma_start3A_33 : memref<80xi32, #tpu.memory_space<hbm>>) target(%arg10 : memref<80xi32, #tpu.memory_space<vmem>>) target_semaphore(%arg19 : memref<!tpu.dma_semaphore, #tpu.memory_space<semaphore_mem>>)
    %dma_start3A_34 = arith.constant 4 : i32
    %dma_start3A_35 = arith.constant 1 : i32
    %dma_start3A_36 = arith.constant 0 : i32
    %dma_start3A_37 = tpu.memref_slice %arg2[%add3A, %dma_start3A_34, %dma_start3A_35, %dma_start3A_36] : memref<32x128x2x80xi32, #tpu.memory_space<hbm>> -> memref<1x1x1x80xi32, #tpu.memory_space<hbm>>
    %dma_start3A_38 = tpu.memref_squeeze %dma_start3A_37 : memref<1x1x1x80xi32, #tpu.memory_space<hbm>> -> memref<80xi32, #tpu.memory_space<hbm>>
    %dma_start3A_39 = arith.constant 0 : i32
    %dma_start3A_40 = tpu.memref_slice %arg2[%add3A, %dma_start3A_34, %dma_start3A_35, %dma_start3A_39] : memref<32x128x2x80xi32, #tpu.memory_space<hbm>> -> memref<1x1x1x80xi32, #tpu.memory_space<hbm>>
    %dma_start3A_41 = tpu.memref_squeeze %dma_start3A_40 : memref<1x1x1x80xi32, #tpu.memory_space<hbm>> -> memref<80xi32, #tpu.memory_space<hbm>>
    tpu.enqueue_dma source(%dma_start3A_41 : memref<80xi32, #tpu.memory_space<hbm>>) target(%arg11 : memref<80xi32, #tpu.memory_space<vmem>>) target_semaphore(%arg20 : memref<!tpu.dma_semaphore, #tpu.memory_space<semaphore_mem>>)
    %dma_start3A_42 = arith.constant 5 : i32
    %dma_start3A_43 = arith.constant 1 : i32
    %dma_start3A_44 = arith.constant 0 : i32
    %dma_start3A_45 = tpu.memref_slice %arg2[%add3A, %dma_start3A_42, %dma_start3A_43, %dma_start3A_44] : memref<32x128x2x80xi32, #tpu.memory_space<hbm>> -> memref<1x1x1x80xi32, #tpu.memory_space<hbm>>
    %dma_start3A_46 = tpu.memref_squeeze %dma_start3A_45 : memref<1x1x1x80xi32, #tpu.memory_space<hbm>> -> memref<80xi32, #tpu.memory_space<hbm>>
    %dma_start3A_47 = arith.constant 0 : i32
    %dma_start3A_48 = tpu.memref_slice %arg2[%add3A, %dma_start3A_42, %dma_start3A_43, %dma_start3A_47] : memref<32x128x2x80xi32, #tpu.memory_space<hbm>> -> memref<1x1x1x80xi32, #tpu.memory_space<hbm>>
    %dma_start3A_49 = tpu.memref_squeeze %dma_start3A_48 : memref<1x1x1x80xi32, #tpu.memory_space<hbm>> -> memref<80xi32, #tpu.memory_space<hbm>>
    tpu.enqueue_dma source(%dma_start3A_49 : memref<80xi32, #tpu.memory_space<hbm>>) target(%arg12 : memref<80xi32, #tpu.memory_space<vmem>>) target_semaphore(%arg21 : memref<!tpu.dma_semaphore, #tpu.memory_space<semaphore_mem>>)
    %dma_start3A_50 = arith.constant 6 : i32
    %dma_start3A_51 = arith.constant 1 : i32
    %dma_start3A_52 = arith.constant 0 : i32
    %dma_start3A_53 = tpu.memref_slice %arg2[%add3A, %dma_start3A_50, %dma_start3A_51, %dma_start3A_52] : memref<32x128x2x80xi32, #tpu.memory_space<hbm>> -> memref<1x1x1x80xi32, #tpu.memory_space<hbm>>
    %dma_start3A_54 = tpu.memref_squeeze %dma_start3A_53 : memref<1x1x1x80xi32, #tpu.memory_space<hbm>> -> memref<80xi32, #tpu.memory_space<hbm>>
    %dma_start3A_55 = arith.constant 0 : i32
    %dma_start3A_56 = tpu.memref_slice %arg2[%add3A, %dma_start3A_50, %dma_start3A_51, %dma_start3A_55] : memref<32x128x2x80xi32, #tpu.memory_space<hbm>> -> memref<1x1x1x80xi32, #tpu.memory_space<hbm>>
    %dma_start3A_57 = tpu.memref_squeeze %dma_start3A_56 : memref<1x1x1x80xi32, #tpu.memory_space<hbm>> -> memref<80xi32, #tpu.memory_space<hbm>>
    tpu.enqueue_dma source(%dma_start3A_57 : memref<80xi32, #tpu.memory_space<hbm>>) target(%arg13 : memref<80xi32, #tpu.memory_space<vmem>>) target_semaphore(%arg22 : memref<!tpu.dma_semaphore, #tpu.memory_space<semaphore_mem>>)
    %dma_start3A_58 = arith.constant 7 : i32
    %dma_start3A_59 = arith.constant 1 : i32
    %dma_start3A_60 = arith.constant 0 : i32
    %dma_start3A_61 = tpu.memref_slice %arg2[%add3A, %dma_start3A_58, %dma_start3A_59, %dma_start3A_60] : memref<32x128x2x80xi32, #tpu.memory_space<hbm>> -> memref<1x1x1x80xi32, #tpu.memory_space<hbm>>
    %dma_start3A_62 = tpu.memref_squeeze %dma_start3A_61 : memref<1x1x1x80xi32, #tpu.memory_space<hbm>> -> memref<80xi32, #tpu.memory_space<hbm>>
    %dma_start3A_63 = arith.constant 0 : i32
    %dma_start3A_64 = tpu.memref_slice %arg2[%add3A, %dma_start3A_58, %dma_start3A_59, %dma_start3A_63] : memref<32x128x2x80xi32, #tpu.memory_space<hbm>> -> memref<1x1x1x80xi32, #tpu.memory_space<hbm>>
    %dma_start3A_65 = tpu.memref_squeeze %dma_start3A_64 : memref<1x1x1x80xi32, #tpu.memory_space<hbm>> -> memref<80xi32, #tpu.memory_space<hbm>>
    tpu.enqueue_dma source(%dma_start3A_65 : memref<80xi32, #tpu.memory_space<hbm>>) target(%arg14 : memref<80xi32, #tpu.memory_space<vmem>>) target_semaphore(%arg23 : memref<!tpu.dma_semaphore, #tpu.memory_space<semaphore_mem>>)
    %scan3A = arith.constant 0 : i32
    %scan3A_66 = arith.constant 16 : i32
    %scan3A_67 = arith.addi %scan3A, %scan3A_66 : i32
    %scan3A_68 = arith.constant 1 : i32
    scf.for %scan3A_102 = %scan3A to %scan3A_67 step %scan3A_68  : i32 {
      %mul3A_103 = arith.constant 8 : i32
      %mul3A_104 = arith.muli %scan3A_102, %mul3A_103 : i32
      %add3A_105 = arith.constant 0 : i32
      %add3A_106 = arith.addi %add3A_105, %mul3A_104 : i32
      %add3A_107 = arith.constant 0 : i32
      %add3A_108 = arith.addi %add3A_106, %add3A_107 : i32
      %dma_wait3A_109 = arith.constant 1 : i32
      %dma_wait3A_110 = arith.constant 0 : i32
      %dma_wait3A_111 = tpu.memref_slice %arg2[%add3A, %add3A_108, %dma_wait3A_109, %dma_wait3A_110] : memref<32x128x2x80xi32, #tpu.memory_space<hbm>> -> memref<1x1x1x80xi32, #tpu.memory_space<hbm>>
      %dma_wait3A_112 = tpu.memref_squeeze %dma_wait3A_111 : memref<1x1x1x80xi32, #tpu.memory_space<hbm>> -> memref<80xi32, #tpu.memory_space<hbm>>
      %dma_wait3A_113 = arith.constant 0 : i32
      %dma_wait3A_114 = tpu.memref_slice %arg2[%add3A, %add3A_108, %dma_wait3A_109, %dma_wait3A_113] : memref<32x128x2x80xi32, #tpu.memory_space<hbm>> -> memref<1x1x1x80xi32, #tpu.memory_space<hbm>>
      %dma_wait3A_115 = tpu.memref_squeeze %dma_wait3A_114 : memref<1x1x1x80xi32, #tpu.memory_space<hbm>> -> memref<80xi32, #tpu.memory_space<hbm>>
      tpu.wait_dma2 semaphore(%arg16 : memref<!tpu.dma_semaphore, #tpu.memory_space<semaphore_mem>>) src(%dma_wait3A_115 : memref<80xi32, #tpu.memory_space<hbm>>) dst(%arg7 : memref<80xi32, #tpu.memory_space<vmem>>)
      %dma_start3A_116 = arith.constant 0 : i32
      %dma_start3A_117 = arith.constant 0 : i32
      %dma_start3A_118 = arith.constant 0 : i32
      %dma_start3A_119 = tpu.memref_slice %arg15[%dma_start3A_116, %dma_start3A_117, %dma_start3A_118] : memref<10240x1x128xf32, #tpu.memory_space<vmem_shared>> -> memref<10240x1x128xf32, #tpu.memory_space<vmem_shared>>
      tpu.enqueue_indirect_dma source(%arg6 : memref<80x1x128xf32, #tpu.memory_space<vmem>>) target(%dma_start3A_119 : memref<10240x1x128xf32, #tpu.memory_space<vmem_shared>>) offsets(%arg7 : memref<80xi32, #tpu.memory_space<vmem>>) semaphore(%arg24 : memref<!tpu.dma_semaphore, #tpu.memory_space<semaphore_mem>>) {add = true}
      %add3A_120 = arith.constant 1 : i32
      %add3A_121 = arith.addi %add3A_106, %add3A_120 : i32
      %dma_wait3A_122 = arith.constant 1 : i32
      %dma_wait3A_123 = arith.constant 0 : i32
      %dma_wait3A_124 = tpu.memref_slice %arg2[%add3A, %add3A_121, %dma_wait3A_122, %dma_wait3A_123] : memref<32x128x2x80xi32, #tpu.memory_space<hbm>> -> memref<1x1x1x80xi32, #tpu.memory_space<hbm>>
      %dma_wait3A_125 = tpu.memref_squeeze %dma_wait3A_124 : memref<1x1x1x80xi32, #tpu.memory_space<hbm>> -> memref<80xi32, #tpu.memory_space<hbm>>
      %dma_wait3A_126 = arith.constant 0 : i32
      %dma_wait3A_127 = tpu.memref_slice %arg2[%add3A, %add3A_121, %dma_wait3A_122, %dma_wait3A_126] : memref<32x128x2x80xi32, #tpu.memory_space<hbm>> -> memref<1x1x1x80xi32, #tpu.memory_space<hbm>>
      %dma_wait3A_128 = tpu.memref_squeeze %dma_wait3A_127 : memref<1x1x1x80xi32, #tpu.memory_space<hbm>> -> memref<80xi32, #tpu.memory_space<hbm>>
      tpu.wait_dma2 semaphore(%arg17 : memref<!tpu.dma_semaphore, #tpu.memory_space<semaphore_mem>>) src(%dma_wait3A_128 : memref<80xi32, #tpu.memory_space<hbm>>) dst(%arg8 : memref<80xi32, #tpu.memory_space<vmem>>)
      %dma_start3A_129 = arith.constant 0 : i32
      %dma_start3A_130 = arith.constant 0 : i32
      %dma_start3A_131 = arith.constant 0 : i32
      %dma_start3A_132 = tpu.memref_slice %arg15[%dma_start3A_129, %dma_start3A_130, %dma_start3A_131] : memref<10240x1x128xf32, #tpu.memory_space<vmem_shared>> -> memref<10240x1x128xf32, #tpu.memory_space<vmem_shared>>
      tpu.enqueue_indirect_dma source(%arg6 : memref<80x1x128xf32, #tpu.memory_space<vmem>>) target(%dma_start3A_132 : memref<10240x1x128xf32, #tpu.memory_space<vmem_shared>>) offsets(%arg8 : memref<80xi32, #tpu.memory_space<vmem>>) semaphore(%arg25 : memref<!tpu.dma_semaphore, #tpu.memory_space<semaphore_mem>>) {add = true}
      %add3A_133 = arith.constant 2 : i32
      %add3A_134 = arith.addi %add3A_106, %add3A_133 : i32
      %dma_wait3A_135 = arith.constant 1 : i32
      %dma_wait3A_136 = arith.constant 0 : i32
      %dma_wait3A_137 = tpu.memref_slice %arg2[%add3A, %add3A_134, %dma_wait3A_135, %dma_wait3A_136] : memref<32x128x2x80xi32, #tpu.memory_space<hbm>> -> memref<1x1x1x80xi32, #tpu.memory_space<hbm>>
      %dma_wait3A_138 = tpu.memref_squeeze %dma_wait3A_137 : memref<1x1x1x80xi32, #tpu.memory_space<hbm>> -> memref<80xi32, #tpu.memory_space<hbm>>
      %dma_wait3A_139 = arith.constant 0 : i32
      %dma_wait3A_140 = tpu.memref_slice %arg2[%add3A, %add3A_134, %dma_wait3A_135, %dma_wait3A_139] : memref<32x128x2x80xi32, #tpu.memory_space<hbm>> -> memref<1x1x1x80xi32, #tpu.memory_space<hbm>>
      %dma_wait3A_141 = tpu.memref_squeeze %dma_wait3A_140 : memref<1x1x1x80xi32, #tpu.memory_space<hbm>> -> memref<80xi32, #tpu.memory_space<hbm>>
      tpu.wait_dma2 semaphore(%arg18 : memref<!tpu.dma_semaphore, #tpu.memory_space<semaphore_mem>>) src(%dma_wait3A_141 : memref<80xi32, #tpu.memory_space<hbm>>) dst(%arg9 : memref<80xi32, #tpu.memory_space<vmem>>)
      %dma_start3A_142 = arith.constant 0 : i32
      %dma_start3A_143 = arith.constant 0 : i32
      %dma_start3A_144 = arith.constant 0 : i32
      %dma_start3A_145 = tpu.memref_slice %arg15[%dma_start3A_142, %dma_start3A_143, %dma_start3A_144] : memref<10240x1x128xf32, #tpu.memory_space<vmem_shared>> -> memref<10240x1x128xf32, #tpu.memory_space<vmem_shared>>
      tpu.enqueue_indirect_dma source(%arg6 : memref<80x1x128xf32, #tpu.memory_space<vmem>>) target(%dma_start3A_145 : memref<10240x1x128xf32, #tpu.memory_space<vmem_shared>>) offsets(%arg9 : memref<80xi32, #tpu.memory_space<vmem>>) semaphore(%arg26 : memref<!tpu.dma_semaphore, #tpu.memory_space<semaphore_mem>>) {add = true}
      %add3A_146 = arith.constant 3 : i32
      %add3A_147 = arith.addi %add3A_106, %add3A_146 : i32
      %dma_wait3A_148 = arith.constant 1 : i32
      %dma_wait3A_149 = arith.constant 0 : i32
      %dma_wait3A_150 = tpu.memref_slice %arg2[%add3A, %add3A_147, %dma_wait3A_148, %dma_wait3A_149] : memref<32x128x2x80xi32, #tpu.memory_space<hbm>> -> memref<1x1x1x80xi32, #tpu.memory_space<hbm>>
      %dma_wait3A_151 = tpu.memref_squeeze %dma_wait3A_150 : memref<1x1x1x80xi32, #tpu.memory_space<hbm>> -> memref<80xi32, #tpu.memory_space<hbm>>
      %dma_wait3A_152 = arith.constant 0 : i32
      %dma_wait3A_153 = tpu.memref_slice %arg2[%add3A, %add3A_147, %dma_wait3A_148, %dma_wait3A_152] : memref<32x128x2x80xi32, #tpu.memory_space<hbm>> -> memref<1x1x1x80xi32, #tpu.memory_space<hbm>>
      %dma_wait3A_154 = tpu.memref_squeeze %dma_wait3A_153 : memref<1x1x1x80xi32, #tpu.memory_space<hbm>> -> memref<80xi32, #tpu.memory_space<hbm>>
      tpu.wait_dma2 semaphore(%arg19 : memref<!tpu.dma_semaphore, #tpu.memory_space<semaphore_mem>>) src(%dma_wait3A_154 : memref<80xi32, #tpu.memory_space<hbm>>) dst(%arg10 : memref<80xi32, #tpu.memory_space<vmem>>)
      %dma_start3A_155 = arith.constant 0 : i32
      %dma_start3A_156 = arith.constant 0 : i32
      %dma_start3A_157 = arith.constant 0 : i32
      %dma_start3A_158 = tpu.memref_slice %arg15[%dma_start3A_155, %dma_start3A_156, %dma_start3A_157] : memref<10240x1x128xf32, #tpu.memory_space<vmem_shared>> -> memref<10240x1x128xf32, #tpu.memory_space<vmem_shared>>
      tpu.enqueue_indirect_dma source(%arg6 : memref<80x1x128xf32, #tpu.memory_space<vmem>>) target(%dma_start3A_158 : memref<10240x1x128xf32, #tpu.memory_space<vmem_shared>>) offsets(%arg10 : memref<80xi32, #tpu.memory_space<vmem>>) semaphore(%arg27 : memref<!tpu.dma_semaphore, #tpu.memory_space<semaphore_mem>>) {add = true}
      %add3A_159 = arith.constant 4 : i32
      %add3A_160 = arith.addi %add3A_106, %add3A_159 : i32
      %dma_wait3A_161 = arith.constant 1 : i32
      %dma_wait3A_162 = arith.constant 0 : i32
      %dma_wait3A_163 = tpu.memref_slice %arg2[%add3A, %add3A_160, %dma_wait3A_161, %dma_wait3A_162] : memref<32x128x2x80xi32, #tpu.memory_space<hbm>> -> memref<1x1x1x80xi32, #tpu.memory_space<hbm>>
      %dma_wait3A_164 = tpu.memref_squeeze %dma_wait3A_163 : memref<1x1x1x80xi32, #tpu.memory_space<hbm>> -> memref<80xi32, #tpu.memory_space<hbm>>
      %dma_wait3A_165 = arith.constant 0 : i32
      %dma_wait3A_166 = tpu.memref_slice %arg2[%add3A, %add3A_160, %dma_wait3A_161, %dma_wait3A_165] : memref<32x128x2x80xi32, #tpu.memory_space<hbm>> -> memref<1x1x1x80xi32, #tpu.memory_space<hbm>>
      %dma_wait3A_167 = tpu.memref_squeeze %dma_wait3A_166 : memref<1x1x1x80xi32, #tpu.memory_space<hbm>> -> memref<80xi32, #tpu.memory_space<hbm>>
      tpu.wait_dma2 semaphore(%arg20 : memref<!tpu.dma_semaphore, #tpu.memory_space<semaphore_mem>>) src(%dma_wait3A_167 : memref<80xi32, #tpu.memory_space<hbm>>) dst(%arg11 : memref<80xi32, #tpu.memory_space<vmem>>)
      %dma_start3A_168 = arith.constant 0 : i32
      %dma_start3A_169 = arith.constant 0 : i32
      %dma_start3A_170 = arith.constant 0 : i32
      %dma_start3A_171 = tpu.memref_slice %arg15[%dma_start3A_168, %dma_start3A_169, %dma_start3A_170] : memref<10240x1x128xf32, #tpu.memory_space<vmem_shared>> -> memref<10240x1x128xf32, #tpu.memory_space<vmem_shared>>
      tpu.enqueue_indirect_dma source(%arg6 : memref<80x1x128xf32, #tpu.memory_space<vmem>>) target(%dma_start3A_171 : memref<10240x1x128xf32, #tpu.memory_space<vmem_shared>>) offsets(%arg11 : memref<80xi32, #tpu.memory_space<vmem>>) semaphore(%arg28 : memref<!tpu.dma_semaphore, #tpu.memory_space<semaphore_mem>>) {add = true}
      %add3A_172 = arith.constant 5 : i32
      %add3A_173 = arith.addi %add3A_106, %add3A_172 : i32
      %dma_wait3A_174 = arith.constant 1 : i32
      %dma_wait3A_175 = arith.constant 0 : i32
      %dma_wait3A_176 = tpu.memref_slice %arg2[%add3A, %add3A_173, %dma_wait3A_174, %dma_wait3A_175] : memref<32x128x2x80xi32, #tpu.memory_space<hbm>> -> memref<1x1x1x80xi32, #tpu.memory_space<hbm>>
      %dma_wait3A_177 = tpu.memref_squeeze %dma_wait3A_176 : memref<1x1x1x80xi32, #tpu.memory_space<hbm>> -> memref<80xi32, #tpu.memory_space<hbm>>
      %dma_wait3A_178 = arith.constant 0 : i32
      %dma_wait3A_179 = tpu.memref_slice %arg2[%add3A, %add3A_173, %dma_wait3A_174, %dma_wait3A_178] : memref<32x128x2x80xi32, #tpu.memory_space<hbm>> -> memref<1x1x1x80xi32, #tpu.memory_space<hbm>>
      %dma_wait3A_180 = tpu.memref_squeeze %dma_wait3A_179 : memref<1x1x1x80xi32, #tpu.memory_space<hbm>> -> memref<80xi32, #tpu.memory_space<hbm>>
      tpu.wait_dma2 semaphore(%arg21 : memref<!tpu.dma_semaphore, #tpu.memory_space<semaphore_mem>>) src(%dma_wait3A_180 : memref<80xi32, #tpu.memory_space<hbm>>) dst(%arg12 : memref<80xi32, #tpu.memory_space<vmem>>)
      %dma_start3A_181 = arith.constant 0 : i32
      %dma_start3A_182 = arith.constant 0 : i32
      %dma_start3A_183 = arith.constant 0 : i32
      %dma_start3A_184 = tpu.memref_slice %arg15[%dma_start3A_181, %dma_start3A_182, %dma_start3A_183] : memref<10240x1x128xf32, #tpu.memory_space<vmem_shared>> -> memref<10240x1x128xf32, #tpu.memory_space<vmem_shared>>
      tpu.enqueue_indirect_dma source(%arg6 : memref<80x1x128xf32, #tpu.memory_space<vmem>>) target(%dma_start3A_184 : memref<10240x1x128xf32, #tpu.memory_space<vmem_shared>>) offsets(%arg12 : memref<80xi32, #tpu.memory_space<vmem>>) semaphore(%arg29 : memref<!tpu.dma_semaphore, #tpu.memory_space<semaphore_mem>>) {add = true}
      %add3A_185 = arith.constant 6 : i32
      %add3A_186 = arith.addi %add3A_106, %add3A_185 : i32
      %dma_wait3A_187 = arith.constant 1 : i32
      %dma_wait3A_188 = arith.constant 0 : i32
      %dma_wait3A_189 = tpu.memref_slice %arg2[%add3A, %add3A_186, %dma_wait3A_187, %dma_wait3A_188] : memref<32x128x2x80xi32, #tpu.memory_space<hbm>> -> memref<1x1x1x80xi32, #tpu.memory_space<hbm>>
      %dma_wait3A_190 = tpu.memref_squeeze %dma_wait3A_189 : memref<1x1x1x80xi32, #tpu.memory_space<hbm>> -> memref<80xi32, #tpu.memory_space<hbm>>
      %dma_wait3A_191 = arith.constant 0 : i32
      %dma_wait3A_192 = tpu.memref_slice %arg2[%add3A, %add3A_186, %dma_wait3A_187, %dma_wait3A_191] : memref<32x128x2x80xi32, #tpu.memory_space<hbm>> -> memref<1x1x1x80xi32, #tpu.memory_space<hbm>>
      %dma_wait3A_193 = tpu.memref_squeeze %dma_wait3A_192 : memref<1x1x1x80xi32, #tpu.memory_space<hbm>> -> memref<80xi32, #tpu.memory_space<hbm>>
      tpu.wait_dma2 semaphore(%arg22 : memref<!tpu.dma_semaphore, #tpu.memory_space<semaphore_mem>>) src(%dma_wait3A_193 : memref<80xi32, #tpu.memory_space<hbm>>) dst(%arg13 : memref<80xi32, #tpu.memory_space<vmem>>)
      %dma_start3A_194 = arith.constant 0 : i32
      %dma_start3A_195 = arith.constant 0 : i32
      %dma_start3A_196 = arith.constant 0 : i32
      %dma_start3A_197 = tpu.memref_slice %arg15[%dma_start3A_194, %dma_start3A_195, %dma_start3A_196] : memref<10240x1x128xf32, #tpu.memory_space<vmem_shared>> -> memref<10240x1x128xf32, #tpu.memory_space<vmem_shared>>
      tpu.enqueue_indirect_dma source(%arg6 : memref<80x1x128xf32, #tpu.memory_space<vmem>>) target(%dma_start3A_197 : memref<10240x1x128xf32, #tpu.memory_space<vmem_shared>>) offsets(%arg13 : memref<80xi32, #tpu.memory_space<vmem>>) semaphore(%arg30 : memref<!tpu.dma_semaphore, #tpu.memory_space<semaphore_mem>>) {add = true}
      %add3A_198 = arith.constant 7 : i32
      %add3A_199 = arith.addi %add3A_106, %add3A_198 : i32
      %dma_wait3A_200 = arith.constant 1 : i32
      %dma_wait3A_201 = arith.constant 0 : i32
      %dma_wait3A_202 = tpu.memref_slice %arg2[%add3A, %add3A_199, %dma_wait3A_200, %dma_wait3A_201] : memref<32x128x2x80xi32, #tpu.memory_space<hbm>> -> memref<1x1x1x80xi32, #tpu.memory_space<hbm>>
      %dma_wait3A_203 = tpu.memref_squeeze %dma_wait3A_202 : memref<1x1x1x80xi32, #tpu.memory_space<hbm>> -> memref<80xi32, #tpu.memory_space<hbm>>
      %dma_wait3A_204 = arith.constant 0 : i32
      %dma_wait3A_205 = tpu.memref_slice %arg2[%add3A, %add3A_199, %dma_wait3A_200, %dma_wait3A_204] : memref<32x128x2x80xi32, #tpu.memory_space<hbm>> -> memref<1x1x1x80xi32, #tpu.memory_space<hbm>>
      %dma_wait3A_206 = tpu.memref_squeeze %dma_wait3A_205 : memref<1x1x1x80xi32, #tpu.memory_space<hbm>> -> memref<80xi32, #tpu.memory_space<hbm>>
      tpu.wait_dma2 semaphore(%arg23 : memref<!tpu.dma_semaphore, #tpu.memory_space<semaphore_mem>>) src(%dma_wait3A_206 : memref<80xi32, #tpu.memory_space<hbm>>) dst(%arg14 : memref<80xi32, #tpu.memory_space<vmem>>)
      %dma_start3A_207 = arith.constant 0 : i32
      %dma_start3A_208 = arith.constant 0 : i32
      %dma_start3A_209 = arith.constant 0 : i32
      %dma_start3A_210 = tpu.memref_slice %arg15[%dma_start3A_207, %dma_start3A_208, %dma_start3A_209] : memref<10240x1x128xf32, #tpu.memory_space<vmem_shared>> -> memref<10240x1x128xf32, #tpu.memory_space<vmem_shared>>
      tpu.enqueue_indirect_dma source(%arg6 : memref<80x1x128xf32, #tpu.memory_space<vmem>>) target(%dma_start3A_210 : memref<10240x1x128xf32, #tpu.memory_space<vmem_shared>>) offsets(%arg14 : memref<80xi32, #tpu.memory_space<vmem>>) semaphore(%arg31 : memref<!tpu.dma_semaphore, #tpu.memory_space<semaphore_mem>>) {add = true}
      %add3A_211 = arith.constant 0 : i32
      %add3A_212 = arith.addi %add3A_106, %add3A_211 : i32
      %add3A_213 = arith.constant 8 : i32
      %add3A_214 = arith.addi %add3A_212, %add3A_213 : i32
      %lt3A = arith.constant 128 : i32
      %lt3A_215 = arith.cmpi slt, %add3A_214, %lt3A : i32
      %convert_element_type3A = arith.extui %lt3A_215 : i1 to i32
      %cond3A = arith.constant 0 : i32
      %cond3A_216 = arith.cmpi ne, %convert_element_type3A, %cond3A : i32
      scf.if %cond3A_216 {
        %dma_wait3A_280 = arith.constant 0 : i32
        %dma_wait3A_281 = arith.constant 0 : i32
        %dma_wait3A_282 = arith.constant 0 : i32
        %dma_wait3A_283 = tpu.memref_slice %arg15[%dma_wait3A_280, %dma_wait3A_281, %dma_wait3A_282] : memref<10240x1x128xf32, #tpu.memory_space<vmem_shared>> -> memref<10240x1x128xf32, #tpu.memory_space<vmem_shared>>
        tpu.wait_indirect_dma semaphore(%arg24 : memref<!tpu.dma_semaphore, #tpu.memory_space<semaphore_mem>>) src(%arg6 : memref<80x1x128xf32, #tpu.memory_space<vmem>>) dst(%dma_wait3A_283 : memref<10240x1x128xf32, #tpu.memory_space<vmem_shared>>)
        %add3A_284 = arith.constant 8 : i32
        %add3A_285 = arith.addi %add3A_212, %add3A_284 : i32
        %dma_start3A_286 = arith.constant 1 : i32
        %dma_start3A_287 = arith.constant 0 : i32
        %dma_start3A_288 = tpu.memref_slice %arg2[%add3A, %add3A_285, %dma_start3A_286, %dma_start3A_287] : memref<32x128x2x80xi32, #tpu.memory_space<hbm>> -> memref<1x1x1x80xi32, #tpu.memory_space<hbm>>
        %dma_start3A_289 = tpu.memref_squeeze %dma_start3A_288 : memref<1x1x1x80xi32, #tpu.memory_space<hbm>> -> memref<80xi32, #tpu.memory_space<hbm>>
        %dma_start3A_290 = arith.constant 0 : i32
        %dma_start3A_291 = tpu.memref_slice %arg2[%add3A, %add3A_285, %dma_start3A_286, %dma_start3A_290] : memref<32x128x2x80xi32, #tpu.memory_space<hbm>> -> memref<1x1x1x80xi32, #tpu.memory_space<hbm>>
        %dma_start3A_292 = tpu.memref_squeeze %dma_start3A_291 : memref<1x1x1x80xi32, #tpu.memory_space<hbm>> -> memref<80xi32, #tpu.memory_space<hbm>>
        tpu.enqueue_dma source(%dma_start3A_292 : memref<80xi32, #tpu.memory_space<hbm>>) target(%arg7 : memref<80xi32, #tpu.memory_space<vmem>>) target_semaphore(%arg16 : memref<!tpu.dma_semaphore, #tpu.memory_space<semaphore_mem>>)
      } else {
      }
      %add3A_217 = arith.constant 1 : i32
      %add3A_218 = arith.addi %add3A_106, %add3A_217 : i32
      %add3A_219 = arith.constant 8 : i32
      %add3A_220 = arith.addi %add3A_218, %add3A_219 : i32
      %lt3A_221 = arith.constant 128 : i32
      %lt3A_222 = arith.cmpi slt, %add3A_220, %lt3A_221 : i32
      %convert_element_type3A_223 = arith.extui %lt3A_222 : i1 to i32
      %cond3A_224 = arith.constant 0 : i32
      %cond3A_225 = arith.cmpi ne, %convert_element_type3A_223, %cond3A_224 : i32
      scf.if %cond3A_225 {
        %dma_wait3A_280 = arith.constant 0 : i32
        %dma_wait3A_281 = arith.constant 0 : i32
        %dma_wait3A_282 = arith.constant 0 : i32
        %dma_wait3A_283 = tpu.memref_slice %arg15[%dma_wait3A_280, %dma_wait3A_281, %dma_wait3A_282] : memref<10240x1x128xf32, #tpu.memory_space<vmem_shared>> -> memref<10240x1x128xf32, #tpu.memory_space<vmem_shared>>
        tpu.wait_indirect_dma semaphore(%arg25 : memref<!tpu.dma_semaphore, #tpu.memory_space<semaphore_mem>>) src(%arg6 : memref<80x1x128xf32, #tpu.memory_space<vmem>>) dst(%dma_wait3A_283 : memref<10240x1x128xf32, #tpu.memory_space<vmem_shared>>)
        %add3A_284 = arith.constant 8 : i32
        %add3A_285 = arith.addi %add3A_218, %add3A_284 : i32
        %dma_start3A_286 = arith.constant 1 : i32
        %dma_start3A_287 = arith.constant 0 : i32
        %dma_start3A_288 = tpu.memref_slice %arg2[%add3A, %add3A_285, %dma_start3A_286, %dma_start3A_287] : memref<32x128x2x80xi32, #tpu.memory_space<hbm>> -> memref<1x1x1x80xi32, #tpu.memory_space<hbm>>
        %dma_start3A_289 = tpu.memref_squeeze %dma_start3A_288 : memref<1x1x1x80xi32, #tpu.memory_space<hbm>> -> memref<80xi32, #tpu.memory_space<hbm>>
        %dma_start3A_290 = arith.constant 0 : i32
        %dma_start3A_291 = tpu.memref_slice %arg2[%add3A, %add3A_285, %dma_start3A_286, %dma_start3A_290] : memref<32x128x2x80xi32, #tpu.memory_space<hbm>> -> memref<1x1x1x80xi32, #tpu.memory_space<hbm>>
        %dma_start3A_292 = tpu.memref_squeeze %dma_start3A_291 : memref<1x1x1x80xi32, #tpu.memory_space<hbm>> -> memref<80xi32, #tpu.memory_space<hbm>>
        tpu.enqueue_dma source(%dma_start3A_292 : memref<80xi32, #tpu.memory_space<hbm>>) target(%arg8 : memref<80xi32, #tpu.memory_space<vmem>>) target_semaphore(%arg17 : memref<!tpu.dma_semaphore, #tpu.memory_space<semaphore_mem>>)
      } else {
      }
      %add3A_226 = arith.constant 2 : i32
      %add3A_227 = arith.addi %add3A_106, %add3A_226 : i32
      %add3A_228 = arith.constant 8 : i32
      %add3A_229 = arith.addi %add3A_227, %add3A_228 : i32
      %lt3A_230 = arith.constant 128 : i32
      %lt3A_231 = arith.cmpi slt, %add3A_229, %lt3A_230 : i32
      %convert_element_type3A_232 = arith.extui %lt3A_231 : i1 to i32
      %cond3A_233 = arith.constant 0 : i32
      %cond3A_234 = arith.cmpi ne, %convert_element_type3A_232, %cond3A_233 : i32
      scf.if %cond3A_234 {
        %dma_wait3A_280 = arith.constant 0 : i32
        %dma_wait3A_281 = arith.constant 0 : i32
        %dma_wait3A_282 = arith.constant 0 : i32
        %dma_wait3A_283 = tpu.memref_slice %arg15[%dma_wait3A_280, %dma_wait3A_281, %dma_wait3A_282] : memref<10240x1x128xf32, #tpu.memory_space<vmem_shared>> -> memref<10240x1x128xf32, #tpu.memory_space<vmem_shared>>
        tpu.wait_indirect_dma semaphore(%arg26 : memref<!tpu.dma_semaphore, #tpu.memory_space<semaphore_mem>>) src(%arg6 : memref<80x1x128xf32, #tpu.memory_space<vmem>>) dst(%dma_wait3A_283 : memref<10240x1x128xf32, #tpu.memory_space<vmem_shared>>)
        %add3A_284 = arith.constant 8 : i32
        %add3A_285 = arith.addi %add3A_227, %add3A_284 : i32
        %dma_start3A_286 = arith.constant 1 : i32
        %dma_start3A_287 = arith.constant 0 : i32
        %dma_start3A_288 = tpu.memref_slice %arg2[%add3A, %add3A_285, %dma_start3A_286, %dma_start3A_287] : memref<32x128x2x80xi32, #tpu.memory_space<hbm>> -> memref<1x1x1x80xi32, #tpu.memory_space<hbm>>
        %dma_start3A_289 = tpu.memref_squeeze %dma_start3A_288 : memref<1x1x1x80xi32, #tpu.memory_space<hbm>> -> memref<80xi32, #tpu.memory_space<hbm>>
        %dma_start3A_290 = arith.constant 0 : i32
        %dma_start3A_291 = tpu.memref_slice %arg2[%add3A, %add3A_285, %dma_start3A_286, %dma_start3A_290] : memref<32x128x2x80xi32, #tpu.memory_space<hbm>> -> memref<1x1x1x80xi32, #tpu.memory_space<hbm>>
        %dma_start3A_292 = tpu.memref_squeeze %dma_start3A_291 : memref<1x1x1x80xi32, #tpu.memory_space<hbm>> -> memref<80xi32, #tpu.memory_space<hbm>>
        tpu.enqueue_dma source(%dma_start3A_292 : memref<80xi32, #tpu.memory_space<hbm>>) target(%arg9 : memref<80xi32, #tpu.memory_space<vmem>>) target_semaphore(%arg18 : memref<!tpu.dma_semaphore, #tpu.memory_space<semaphore_mem>>)
      } else {
      }
      %add3A_235 = arith.constant 3 : i32
      %add3A_236 = arith.addi %add3A_106, %add3A_235 : i32
      %add3A_237 = arith.constant 8 : i32
      %add3A_238 = arith.addi %add3A_236, %add3A_237 : i32
      %lt3A_239 = arith.constant 128 : i32
      %lt3A_240 = arith.cmpi slt, %add3A_238, %lt3A_239 : i32
      %convert_element_type3A_241 = arith.extui %lt3A_240 : i1 to i32
      %cond3A_242 = arith.constant 0 : i32
      %cond3A_243 = arith.cmpi ne, %convert_element_type3A_241, %cond3A_242 : i32
      scf.if %cond3A_243 {
        %dma_wait3A_280 = arith.constant 0 : i32
        %dma_wait3A_281 = arith.constant 0 : i32
        %dma_wait3A_282 = arith.constant 0 : i32
        %dma_wait3A_283 = tpu.memref_slice %arg15[%dma_wait3A_280, %dma_wait3A_281, %dma_wait3A_282] : memref<10240x1x128xf32, #tpu.memory_space<vmem_shared>> -> memref<10240x1x128xf32, #tpu.memory_space<vmem_shared>>
        tpu.wait_indirect_dma semaphore(%arg27 : memref<!tpu.dma_semaphore, #tpu.memory_space<semaphore_mem>>) src(%arg6 : memref<80x1x128xf32, #tpu.memory_space<vmem>>) dst(%dma_wait3A_283 : memref<10240x1x128xf32, #tpu.memory_space<vmem_shared>>)
        %add3A_284 = arith.constant 8 : i32
        %add3A_285 = arith.addi %add3A_236, %add3A_284 : i32
        %dma_start3A_286 = arith.constant 1 : i32
        %dma_start3A_287 = arith.constant 0 : i32
        %dma_start3A_288 = tpu.memref_slice %arg2[%add3A, %add3A_285, %dma_start3A_286, %dma_start3A_287] : memref<32x128x2x80xi32, #tpu.memory_space<hbm>> -> memref<1x1x1x80xi32, #tpu.memory_space<hbm>>
        %dma_start3A_289 = tpu.memref_squeeze %dma_start3A_288 : memref<1x1x1x80xi32, #tpu.memory_space<hbm>> -> memref<80xi32, #tpu.memory_space<hbm>>
        %dma_start3A_290 = arith.constant 0 : i32
        %dma_start3A_291 = tpu.memref_slice %arg2[%add3A, %add3A_285, %dma_start3A_286, %dma_start3A_290] : memref<32x128x2x80xi32, #tpu.memory_space<hbm>> -> memref<1x1x1x80xi32, #tpu.memory_space<hbm>>
        %dma_start3A_292 = tpu.memref_squeeze %dma_start3A_291 : memref<1x1x1x80xi32, #tpu.memory_space<hbm>> -> memref<80xi32, #tpu.memory_space<hbm>>
        tpu.enqueue_dma source(%dma_start3A_292 : memref<80xi32, #tpu.memory_space<hbm>>) target(%arg10 : memref<80xi32, #tpu.memory_space<vmem>>) target_semaphore(%arg19 : memref<!tpu.dma_semaphore, #tpu.memory_space<semaphore_mem>>)
      } else {
      }
      %add3A_244 = arith.constant 4 : i32
      %add3A_245 = arith.addi %add3A_106, %add3A_244 : i32
      %add3A_246 = arith.constant 8 : i32
      %add3A_247 = arith.addi %add3A_245, %add3A_246 : i32
      %lt3A_248 = arith.constant 128 : i32
      %lt3A_249 = arith.cmpi slt, %add3A_247, %lt3A_248 : i32
      %convert_element_type3A_250 = arith.extui %lt3A_249 : i1 to i32
      %cond3A_251 = arith.constant 0 : i32
      %cond3A_252 = arith.cmpi ne, %convert_element_type3A_250, %cond3A_251 : i32
      scf.if %cond3A_252 {
        %dma_wait3A_280 = arith.constant 0 : i32
        %dma_wait3A_281 = arith.constant 0 : i32
        %dma_wait3A_282 = arith.constant 0 : i32
        %dma_wait3A_283 = tpu.memref_slice %arg15[%dma_wait3A_280, %dma_wait3A_281, %dma_wait3A_282] : memref<10240x1x128xf32, #tpu.memory_space<vmem_shared>> -> memref<10240x1x128xf32, #tpu.memory_space<vmem_shared>>
        tpu.wait_indirect_dma semaphore(%arg28 : memref<!tpu.dma_semaphore, #tpu.memory_space<semaphore_mem>>) src(%arg6 : memref<80x1x128xf32, #tpu.memory_space<vmem>>) dst(%dma_wait3A_283 : memref<10240x1x128xf32, #tpu.memory_space<vmem_shared>>)
        %add3A_284 = arith.constant 8 : i32
        %add3A_285 = arith.addi %add3A_245, %add3A_284 : i32
        %dma_start3A_286 = arith.constant 1 : i32
        %dma_start3A_287 = arith.constant 0 : i32
        %dma_start3A_288 = tpu.memref_slice %arg2[%add3A, %add3A_285, %dma_start3A_286, %dma_start3A_287] : memref<32x128x2x80xi32, #tpu.memory_space<hbm>> -> memref<1x1x1x80xi32, #tpu.memory_space<hbm>>
        %dma_start3A_289 = tpu.memref_squeeze %dma_start3A_288 : memref<1x1x1x80xi32, #tpu.memory_space<hbm>> -> memref<80xi32, #tpu.memory_space<hbm>>
        %dma_start3A_290 = arith.constant 0 : i32
        %dma_start3A_291 = tpu.memref_slice %arg2[%add3A, %add3A_285, %dma_start3A_286, %dma_start3A_290] : memref<32x128x2x80xi32, #tpu.memory_space<hbm>> -> memref<1x1x1x80xi32, #tpu.memory_space<hbm>>
        %dma_start3A_292 = tpu.memref_squeeze %dma_start3A_291 : memref<1x1x1x80xi32, #tpu.memory_space<hbm>> -> memref<80xi32, #tpu.memory_space<hbm>>
        tpu.enqueue_dma source(%dma_start3A_292 : memref<80xi32, #tpu.memory_space<hbm>>) target(%arg11 : memref<80xi32, #tpu.memory_space<vmem>>) target_semaphore(%arg20 : memref<!tpu.dma_semaphore, #tpu.memory_space<semaphore_mem>>)
      } else {
      }
      %add3A_253 = arith.constant 5 : i32
      %add3A_254 = arith.addi %add3A_106, %add3A_253 : i32
      %add3A_255 = arith.constant 8 : i32
      %add3A_256 = arith.addi %add3A_254, %add3A_255 : i32
      %lt3A_257 = arith.constant 128 : i32
      %lt3A_258 = arith.cmpi slt, %add3A_256, %lt3A_257 : i32
      %convert_element_type3A_259 = arith.extui %lt3A_258 : i1 to i32
      %cond3A_260 = arith.constant 0 : i32
      %cond3A_261 = arith.cmpi ne, %convert_element_type3A_259, %cond3A_260 : i32
      scf.if %cond3A_261 {
        %dma_wait3A_280 = arith.constant 0 : i32
        %dma_wait3A_281 = arith.constant 0 : i32
        %dma_wait3A_282 = arith.constant 0 : i32
        %dma_wait3A_283 = tpu.memref_slice %arg15[%dma_wait3A_280, %dma_wait3A_281, %dma_wait3A_282] : memref<10240x1x128xf32, #tpu.memory_space<vmem_shared>> -> memref<10240x1x128xf32, #tpu.memory_space<vmem_shared>>
        tpu.wait_indirect_dma semaphore(%arg29 : memref<!tpu.dma_semaphore, #tpu.memory_space<semaphore_mem>>) src(%arg6 : memref<80x1x128xf32, #tpu.memory_space<vmem>>) dst(%dma_wait3A_283 : memref<10240x1x128xf32, #tpu.memory_space<vmem_shared>>)
        %add3A_284 = arith.constant 8 : i32
        %add3A_285 = arith.addi %add3A_254, %add3A_284 : i32
        %dma_start3A_286 = arith.constant 1 : i32
        %dma_start3A_287 = arith.constant 0 : i32
        %dma_start3A_288 = tpu.memref_slice %arg2[%add3A, %add3A_285, %dma_start3A_286, %dma_start3A_287] : memref<32x128x2x80xi32, #tpu.memory_space<hbm>> -> memref<1x1x1x80xi32, #tpu.memory_space<hbm>>
        %dma_start3A_289 = tpu.memref_squeeze %dma_start3A_288 : memref<1x1x1x80xi32, #tpu.memory_space<hbm>> -> memref<80xi32, #tpu.memory_space<hbm>>
        %dma_start3A_290 = arith.constant 0 : i32
        %dma_start3A_291 = tpu.memref_slice %arg2[%add3A, %add3A_285, %dma_start3A_286, %dma_start3A_290] : memref<32x128x2x80xi32, #tpu.memory_space<hbm>> -> memref<1x1x1x80xi32, #tpu.memory_space<hbm>>
        %dma_start3A_292 = tpu.memref_squeeze %dma_start3A_291 : memref<1x1x1x80xi32, #tpu.memory_space<hbm>> -> memref<80xi32, #tpu.memory_space<hbm>>
        tpu.enqueue_dma source(%dma_start3A_292 : memref<80xi32, #tpu.memory_space<hbm>>) target(%arg12 : memref<80xi32, #tpu.memory_space<vmem>>) target_semaphore(%arg21 : memref<!tpu.dma_semaphore, #tpu.memory_space<semaphore_mem>>)
      } else {
      }
      %add3A_262 = arith.constant 6 : i32
      %add3A_263 = arith.addi %add3A_106, %add3A_262 : i32
      %add3A_264 = arith.constant 8 : i32
      %add3A_265 = arith.addi %add3A_263, %add3A_264 : i32
      %lt3A_266 = arith.constant 128 : i32
      %lt3A_267 = arith.cmpi slt, %add3A_265, %lt3A_266 : i32
      %convert_element_type3A_268 = arith.extui %lt3A_267 : i1 to i32
      %cond3A_269 = arith.constant 0 : i32
      %cond3A_270 = arith.cmpi ne, %convert_element_type3A_268, %cond3A_269 : i32
      scf.if %cond3A_270 {
        %dma_wait3A_280 = arith.constant 0 : i32
        %dma_wait3A_281 = arith.constant 0 : i32
        %dma_wait3A_282 = arith.constant 0 : i32
        %dma_wait3A_283 = tpu.memref_slice %arg15[%dma_wait3A_280, %dma_wait3A_281, %dma_wait3A_282] : memref<10240x1x128xf32, #tpu.memory_space<vmem_shared>> -> memref<10240x1x128xf32, #tpu.memory_space<vmem_shared>>
        tpu.wait_indirect_dma semaphore(%arg30 : memref<!tpu.dma_semaphore, #tpu.memory_space<semaphore_mem>>) src(%arg6 : memref<80x1x128xf32, #tpu.memory_space<vmem>>) dst(%dma_wait3A_283 : memref<10240x1x128xf32, #tpu.memory_space<vmem_shared>>)
        %add3A_284 = arith.constant 8 : i32
        %add3A_285 = arith.addi %add3A_263, %add3A_284 : i32
        %dma_start3A_286 = arith.constant 1 : i32
        %dma_start3A_287 = arith.constant 0 : i32
        %dma_start3A_288 = tpu.memref_slice %arg2[%add3A, %add3A_285, %dma_start3A_286, %dma_start3A_287] : memref<32x128x2x80xi32, #tpu.memory_space<hbm>> -> memref<1x1x1x80xi32, #tpu.memory_space<hbm>>
        %dma_start3A_289 = tpu.memref_squeeze %dma_start3A_288 : memref<1x1x1x80xi32, #tpu.memory_space<hbm>> -> memref<80xi32, #tpu.memory_space<hbm>>
        %dma_start3A_290 = arith.constant 0 : i32
        %dma_start3A_291 = tpu.memref_slice %arg2[%add3A, %add3A_285, %dma_start3A_286, %dma_start3A_290] : memref<32x128x2x80xi32, #tpu.memory_space<hbm>> -> memref<1x1x1x80xi32, #tpu.memory_space<hbm>>
        %dma_start3A_292 = tpu.memref_squeeze %dma_start3A_291 : memref<1x1x1x80xi32, #tpu.memory_space<hbm>> -> memref<80xi32, #tpu.memory_space<hbm>>
        tpu.enqueue_dma source(%dma_start3A_292 : memref<80xi32, #tpu.memory_space<hbm>>) target(%arg13 : memref<80xi32, #tpu.memory_space<vmem>>) target_semaphore(%arg22 : memref<!tpu.dma_semaphore, #tpu.memory_space<semaphore_mem>>)
      } else {
      }
      %add3A_271 = arith.constant 7 : i32
      %add3A_272 = arith.addi %add3A_106, %add3A_271 : i32
      %add3A_273 = arith.constant 8 : i32
      %add3A_274 = arith.addi %add3A_272, %add3A_273 : i32
      %lt3A_275 = arith.constant 128 : i32
      %lt3A_276 = arith.cmpi slt, %add3A_274, %lt3A_275 : i32
      %convert_element_type3A_277 = arith.extui %lt3A_276 : i1 to i32
      %cond3A_278 = arith.constant 0 : i32
      %cond3A_279 = arith.cmpi ne, %convert_element_type3A_277, %cond3A_278 : i32
      scf.if %cond3A_279 {
        %dma_wait3A_280 = arith.constant 0 : i32
        %dma_wait3A_281 = arith.constant 0 : i32
        %dma_wait3A_282 = arith.constant 0 : i32
        %dma_wait3A_283 = tpu.memref_slice %arg15[%dma_wait3A_280, %dma_wait3A_281, %dma_wait3A_282] : memref<10240x1x128xf32, #tpu.memory_space<vmem_shared>> -> memref<10240x1x128xf32, #tpu.memory_space<vmem_shared>>
        tpu.wait_indirect_dma semaphore(%arg31 : memref<!tpu.dma_semaphore, #tpu.memory_space<semaphore_mem>>) src(%arg6 : memref<80x1x128xf32, #tpu.memory_space<vmem>>) dst(%dma_wait3A_283 : memref<10240x1x128xf32, #tpu.memory_space<vmem_shared>>)
        %add3A_284 = arith.constant 8 : i32
        %add3A_285 = arith.addi %add3A_272, %add3A_284 : i32
        %dma_start3A_286 = arith.constant 1 : i32
        %dma_start3A_287 = arith.constant 0 : i32
        %dma_start3A_288 = tpu.memref_slice %arg2[%add3A, %add3A_285, %dma_start3A_286, %dma_start3A_287] : memref<32x128x2x80xi32, #tpu.memory_space<hbm>> -> memref<1x1x1x80xi32, #tpu.memory_space<hbm>>
        %dma_start3A_289 = tpu.memref_squeeze %dma_start3A_288 : memref<1x1x1x80xi32, #tpu.memory_space<hbm>> -> memref<80xi32, #tpu.memory_space<hbm>>
        %dma_start3A_290 = arith.constant 0 : i32
        %dma_start3A_291 = tpu.memref_slice %arg2[%add3A, %add3A_285, %dma_start3A_286, %dma_start3A_290] : memref<32x128x2x80xi32, #tpu.memory_space<hbm>> -> memref<1x1x1x80xi32, #tpu.memory_space<hbm>>
        %dma_start3A_292 = tpu.memref_squeeze %dma_start3A_291 : memref<1x1x1x80xi32, #tpu.memory_space<hbm>> -> memref<80xi32, #tpu.memory_space<hbm>>
        tpu.enqueue_dma source(%dma_start3A_292 : memref<80xi32, #tpu.memory_space<hbm>>) target(%arg14 : memref<80xi32, #tpu.memory_space<vmem>>) target_semaphore(%arg23 : memref<!tpu.dma_semaphore, #tpu.memory_space<semaphore_mem>>)
      } else {
      }
    }
    %scan3A_69 = arith.constant 16 : i32
    %dma_wait3A = arith.constant 0 : i32
    %dma_wait3A_70 = arith.constant 0 : i32
    %dma_wait3A_71 = arith.constant 0 : i32
    %dma_wait3A_72 = tpu.memref_slice %arg15[%dma_wait3A, %dma_wait3A_70, %dma_wait3A_71] : memref<10240x1x128xf32, #tpu.memory_space<vmem_shared>> -> memref<10240x1x128xf32, #tpu.memory_space<vmem_shared>>
    tpu.wait_indirect_dma semaphore(%arg24 : memref<!tpu.dma_semaphore, #tpu.memory_space<semaphore_mem>>) src(%arg6 : memref<80x1x128xf32, #tpu.memory_space<vmem>>) dst(%dma_wait3A_72 : memref<10240x1x128xf32, #tpu.memory_space<vmem_shared>>)
    %dma_wait3A_73 = arith.constant 0 : i32
    %dma_wait3A_74 = arith.constant 0 : i32
    %dma_wait3A_75 = arith.constant 0 : i32
    %dma_wait3A_76 = tpu.memref_slice %arg15[%dma_wait3A_73, %dma_wait3A_74, %dma_wait3A_75] : memref<10240x1x128xf32, #tpu.memory_space<vmem_shared>> -> memref<10240x1x128xf32, #tpu.memory_space<vmem_shared>>
    tpu.wait_indirect_dma semaphore(%arg25 : memref<!tpu.dma_semaphore, #tpu.memory_space<semaphore_mem>>) src(%arg6 : memref<80x1x128xf32, #tpu.memory_space<vmem>>) dst(%dma_wait3A_76 : memref<10240x1x128xf32, #tpu.memory_space<vmem_shared>>)
    %dma_wait3A_77 = arith.constant 0 : i32
    %dma_wait3A_78 = arith.constant 0 : i32
    %dma_wait3A_79 = arith.constant 0 : i32
    %dma_wait3A_80 = tpu.memref_slice %arg15[%dma_wait3A_77, %dma_wait3A_78, %dma_wait3A_79] : memref<10240x1x128xf32, #tpu.memory_space<vmem_shared>> -> memref<10240x1x128xf32, #tpu.memory_space<vmem_shared>>
    tpu.wait_indirect_dma semaphore(%arg26 : memref<!tpu.dma_semaphore, #tpu.memory_space<semaphore_mem>>) src(%arg6 : memref<80x1x128xf32, #tpu.memory_space<vmem>>) dst(%dma_wait3A_80 : memref<10240x1x128xf32, #tpu.memory_space<vmem_shared>>)
    %dma_wait3A_81 = arith.constant 0 : i32
    %dma_wait3A_82 = arith.constant 0 : i32
    %dma_wait3A_83 = arith.constant 0 : i32
    %dma_wait3A_84 = tpu.memref_slice %arg15[%dma_wait3A_81, %dma_wait3A_82, %dma_wait3A_83] : memref<10240x1x128xf32, #tpu.memory_space<vmem_shared>> -> memref<10240x1x128xf32, #tpu.memory_space<vmem_shared>>
    tpu.wait_indirect_dma semaphore(%arg27 : memref<!tpu.dma_semaphore, #tpu.memory_space<semaphore_mem>>) src(%arg6 : memref<80x1x128xf32, #tpu.memory_space<vmem>>) dst(%dma_wait3A_84 : memref<10240x1x128xf32, #tpu.memory_space<vmem_shared>>)
    %dma_wait3A_85 = arith.constant 0 : i32
    %dma_wait3A_86 = arith.constant 0 : i32
    %dma_wait3A_87 = arith.constant 0 : i32
    %dma_wait3A_88 = tpu.memref_slice %arg15[%dma_wait3A_85, %dma_wait3A_86, %dma_wait3A_87] : memref<10240x1x128xf32, #tpu.memory_space<vmem_shared>> -> memref<10240x1x128xf32, #tpu.memory_space<vmem_shared>>
    tpu.wait_indirect_dma semaphore(%arg28 : memref<!tpu.dma_semaphore, #tpu.memory_space<semaphore_mem>>) src(%arg6 : memref<80x1x128xf32, #tpu.memory_space<vmem>>) dst(%dma_wait3A_88 : memref<10240x1x128xf32, #tpu.memory_space<vmem_shared>>)
    %dma_wait3A_89 = arith.constant 0 : i32
    %dma_wait3A_90 = arith.constant 0 : i32
    %dma_wait3A_91 = arith.constant 0 : i32
    %dma_wait3A_92 = tpu.memref_slice %arg15[%dma_wait3A_89, %dma_wait3A_90, %dma_wait3A_91] : memref<10240x1x128xf32, #tpu.memory_space<vmem_shared>> -> memref<10240x1x128xf32, #tpu.memory_space<vmem_shared>>
    tpu.wait_indirect_dma semaphore(%arg29 : memref<!tpu.dma_semaphore, #tpu.memory_space<semaphore_mem>>) src(%arg6 : memref<80x1x128xf32, #tpu.memory_space<vmem>>) dst(%dma_wait3A_92 : memref<10240x1x128xf32, #tpu.memory_space<vmem_shared>>)
    %dma_wait3A_93 = arith.constant 0 : i32
    %dma_wait3A_94 = arith.constant 0 : i32
    %dma_wait3A_95 = arith.constant 0 : i32
    %dma_wait3A_96 = tpu.memref_slice %arg15[%dma_wait3A_93, %dma_wait3A_94, %dma_wait3A_95] : memref<10240x1x128xf32, #tpu.memory_space<vmem_shared>> -> memref<10240x1x128xf32, #tpu.memory_space<vmem_shared>>
    tpu.wait_indirect_dma semaphore(%arg30 : memref<!tpu.dma_semaphore, #tpu.memory_space<semaphore_mem>>) src(%arg6 : memref<80x1x128xf32, #tpu.memory_space<vmem>>) dst(%dma_wait3A_96 : memref<10240x1x128xf32, #tpu.memory_space<vmem_shared>>)
    %dma_wait3A_97 = arith.constant 0 : i32
    %dma_wait3A_98 = arith.constant 0 : i32
    %dma_wait3A_99 = arith.constant 0 : i32
    %dma_wait3A_100 = tpu.memref_slice %arg15[%dma_wait3A_97, %dma_wait3A_98, %dma_wait3A_99] : memref<10240x1x128xf32, #tpu.memory_space<vmem_shared>> -> memref<10240x1x128xf32, #tpu.memory_space<vmem_shared>>
    tpu.wait_indirect_dma semaphore(%arg31 : memref<!tpu.dma_semaphore, #tpu.memory_space<semaphore_mem>>) src(%arg6 : memref<80x1x128xf32, #tpu.memory_space<vmem>>) dst(%dma_wait3A_100 : memref<10240x1x128xf32, #tpu.memory_space<vmem_shared>>)
    %barrier3A_101 = arith.constant 0 : index
    tpu.barrier barrier_id(%barrier3A_101)
    "tpu.region"() ({
      %run_scoped3A = tpu.sem_alloc : memref<!tpu.dma_semaphore, #tpu.memory_space<semaphore_mem>>
      %dma_start3A_102 = arith.constant 0 : i32
      %dma_start3A_103 = arith.constant 0 : i32
      %dma_start3A_104 = tpu.memref_slice %arg5[%arg0, %mul3A_2, %dma_start3A_102, %dma_start3A_103] : memref<2x10240x1x128xf32, #tpu.memory_space<hbm>> -> memref<1x640x1x128xf32, #tpu.memory_space<hbm>>
      %dma_start3A_105 = tpu.memref_squeeze %dma_start3A_104 : memref<1x640x1x128xf32, #tpu.memory_space<hbm>> -> memref<640x1x128xf32, #tpu.memory_space<hbm>>
      %dma_start3A_106 = arith.constant 0 : i32
      %dma_start3A_107 = arith.constant 0 : i32
      %dma_start3A_108 = tpu.memref_slice %arg15[%mul3A_2, %dma_start3A_106, %dma_start3A_107] : memref<10240x1x128xf32, #tpu.memory_space<vmem_shared>> -> memref<640x1x128xf32, #tpu.memory_space<vmem_shared>>
      tpu.enqueue_dma source(%dma_start3A_108 : memref<640x1x128xf32, #tpu.memory_space<vmem_shared>>) target(%dma_start3A_105 : memref<640x1x128xf32, #tpu.memory_space<hbm>>) target_semaphore(%run_scoped3A : memref<!tpu.dma_semaphore, #tpu.memory_space<semaphore_mem>>)
      %dma_wait3A_109 = arith.constant 0 : i32
      %dma_wait3A_110 = arith.constant 0 : i32
      %dma_wait3A_111 = tpu.memref_slice %arg5[%arg0, %mul3A_2, %dma_wait3A_109, %dma_wait3A_110] : memref<2x10240x1x128xf32, #tpu.memory_space<hbm>> -> memref<1x640x1x128xf32, #tpu.memory_space<hbm>>
      %dma_wait3A_112 = tpu.memref_squeeze %dma_wait3A_111 : memref<1x640x1x128xf32, #tpu.memory_space<hbm>> -> memref<640x1x128xf32, #tpu.memory_space<hbm>>
      %dma_wait3A_113 = arith.constant 0 : i32
      %dma_wait3A_114 = arith.constant 0 : i32
      %dma_wait3A_115 = tpu.memref_slice %arg15[%mul3A_2, %dma_wait3A_113, %dma_wait3A_114] : memref<10240x1x128xf32, #tpu.memory_space<vmem_shared>> -> memref<640x1x128xf32, #tpu.memory_space<vmem_shared>>
      tpu.wait_dma2 semaphore(%run_scoped3A : memref<!tpu.dma_semaphore, #tpu.memory_space<semaphore_mem>>) src(%dma_wait3A_115 : memref<640x1x128xf32, #tpu.memory_space<vmem_shared>>) dst(%dma_wait3A_112 : memref<640x1x128xf32, #tpu.memory_space<hbm>>)
      tpu.yield
    }) : () -> ()
    return
  }
}

module attributes {stable_mosaic.version = 14 : i64} {
  func.func @body(%arg0: memref<10000x128xf32, #tpu.memory_space<vmem>>, %arg1: memref<128x16xf32, #tpu.memory_space<vmem>>, %arg2: memref<10000x16xf32, #tpu.memory_space<vmem>>) attributes {dimension_semantics = [], scalar_prefetch = 0 : i64, scratch_operands = 0 : i64, tpu.core_type = #tpu.core_type<tc>} {
    %get3A = arith.constant 0 : index
    %get3A_0 = arith.constant 0 : index
    %get3A_1 = vector.load %arg0[%get3A, %get3A_0] : memref<10000x128xf32, #tpu.memory_space<vmem>>, vector<10000x128xf32>
    %get3A_2 = arith.constant 0 : index
    %get3A_3 = arith.constant 0 : index
    %get3A_4 = vector.load %arg1[%get3A_2, %get3A_3] : memref<128x16xf32, #tpu.memory_space<vmem>>, vector<128x16xf32>
    %dot_general3A = arith.constant dense<0.000000e+00> : vector<10000x16xf32>
    %dot_general3A_5 = tpu.matmul %get3A_1, %get3A_4, %dot_general3A {dimension_numbers = #tpu.dot_dimension_numbers<[1], [0], [0], [1], [0, 0, 1, 1], [], []>, transpose_lhs_hint = false} : vector<10000x128xf32>, vector<128x16xf32>, vector<10000x16xf32> -> vector<10000x16xf32>
    %swap3A = arith.constant 0 : index
    %swap3A_6 = arith.constant 0 : index
    %swap3A_7 = vector.load %arg2[%swap3A, %swap3A_6] : memref<10000x16xf32, #tpu.memory_space<vmem>>, vector<10000x16xf32>
    tpu.vector_store %arg2[%swap3A, %swap3A_6], %dot_general3A_5 {strides = array<i32>} : memref<10000x16xf32, #tpu.memory_space<vmem>>, vector<10000x16xf32>,
    return
  }
}

module attributes {stable_mosaic.version = 14 : i64} {
  func.func @body(%arg0: memref<2x10240x128xf32, #tpu.memory_space<vmem>>, %arg1: memref<10000x16xf32, #tpu.memory_space<vmem>>, %arg2: memref<10000x16xf32, #tpu.memory_space<vmem>>, %arg3: memref<10240x128xf32, #tpu.memory_space<vmem>>) attributes {dimension_semantics = [], scalar_prefetch = 0 : i64, scratch_operands = 0 : i64, tpu.core_type = #tpu.core_type<tc>} {
    %get3A = arith.constant 0 : index
    %get3A_0 = arith.constant 0 : index
    %get3A_1 = arith.constant 0 : index
    %get3A_2 = vector.load %arg0[%get3A, %get3A_0, %get3A_1] : memref<2x10240x128xf32, #tpu.memory_space<vmem>>, vector<1x10000x16xf32>
    %get3A_3 = vector.shape_cast %get3A_2 : vector<1x10000x16xf32> to vector<10000x16xf32>
    %get3A_4 = arith.constant 1 : index
    %get3A_5 = arith.constant 0 : index
    %get3A_6 = arith.constant 0 : index
    %get3A_7 = vector.load %arg0[%get3A_4, %get3A_5, %get3A_6] : memref<2x10240x128xf32, #tpu.memory_space<vmem>>, vector<1x10000x16xf32>
    %get3A_8 = vector.shape_cast %get3A_7 : vector<1x10000x16xf32> to vector<10000x16xf32>
    %add3A = arith.addf %get3A_3, %get3A_8 : vector<10000x16xf32>
    %add3A_9 = arith.constant 1.000000e+00 : f32
    %add3A_10 = vector.broadcast %add3A_9 : f32 to vector<10000x16xf32>
    %add3A_11 = arith.addf %add3A, %add3A_10 : vector<10000x16xf32>
    %rsqrt3A = math.rsqrt %add3A_11 : vector<10000x16xf32>
    %swap3A = arith.constant 0 : index
    %swap3A_12 = arith.constant 0 : index
    %swap3A_13 = vector.load %arg2[%swap3A, %swap3A_12] : memref<10000x16xf32, #tpu.memory_space<vmem>>, vector<10000x16xf32>
    tpu.vector_store %arg2[%swap3A, %swap3A_12], %rsqrt3A {strides = array<i32>} : memref<10000x16xf32, #tpu.memory_space<vmem>>, vector<10000x16xf32>,
    %get3A_14 = arith.constant 0 : index
    %get3A_15 = arith.constant 0 : index
    %get3A_16 = vector.load %arg1[%get3A_14, %get3A_15] : memref<10000x16xf32, #tpu.memory_space<vmem>>, vector<10000x16xf32>
    %mul3A = arith.mulf %rsqrt3A, %get3A_16 : vector<10000x16xf32>
    %swap3A_17 = arith.constant 0 : index
    %swap3A_18 = arith.constant 0 : index
    %swap3A_19 = vector.load %arg3[%swap3A_17, %swap3A_18] : memref<10240x128xf32, #tpu.memory_space<vmem>>, vector<10000x16xf32>
    tpu.vector_store %arg3[%swap3A_17, %swap3A_18], %mul3A {strides = array<i32>} : memref<10240x128xf32, #tpu.memory_space<vmem>>, vector<10000x16xf32>,
    %broadcast_in_dim3A = arith.constant 0.000000e+00 : f32
    %broadcast_in_dim3A_20 = vector.broadcast %broadcast_in_dim3A : f32 to vector<10000x112xf32>
    %swap3A_21 = arith.constant 0 : index
    %swap3A_22 = arith.constant 16 : index
    %swap3A_23 = vector.load %arg3[%swap3A_21, %swap3A_22] : memref<10240x128xf32, #tpu.memory_space<vmem>>, vector<10000x112xf32>
    tpu.vector_store %arg3[%swap3A_21, %swap3A_22], %broadcast_in_dim3A_20 {strides = array<i32>} : memref<10240x128xf32, #tpu.memory_space<vmem>>, vector<10000x112xf32>,
    %broadcast_in_dim3A_24 = arith.constant 0.000000e+00 : f32
    %broadcast_in_dim3A_25 = vector.broadcast %broadcast_in_dim3A_24 : f32 to vector<240x128xf32>
    %swap3A_26 = arith.constant 10000 : index
    %swap3A_27 = arith.constant 0 : index
    %swap3A_28 = vector.load %arg3[%swap3A_26, %swap3A_27] : memref<10240x128xf32, #tpu.memory_space<vmem>>, vector<240x128xf32>
    tpu.vector_store %arg3[%swap3A_26, %swap3A_27], %broadcast_in_dim3A_25 {strides = array<i32>} : memref<10240x128xf32, #tpu.memory_space<vmem>>, vector<240x128xf32>,
    return
  }
}

module attributes {stable_mosaic.version = 14 : i64} {
  func.func @body(%arg0: memref<2x10240x128xf32, #tpu.memory_space<vmem>>, %arg1: memref<10240x128xf32, #tpu.memory_space<vmem>>, %arg2: memref<10000x16xf32, #tpu.memory_space<vmem>>, %arg3: memref<16xf32, #tpu.memory_space<vmem>>, %arg4: memref<10240x128xf32, #tpu.memory_space<vmem>>) attributes {dimension_semantics = [], scalar_prefetch = 0 : i64, scratch_operands = 0 : i64, tpu.core_type = #tpu.core_type<tc>} {
    %get3A = arith.constant 0 : index
    %get3A_0 = arith.constant 0 : index
    %get3A_1 = vector.load %arg2[%get3A, %get3A_0] : memref<10000x16xf32, #tpu.memory_space<vmem>>, vector<10000x16xf32>
    %get3A_2 = arith.constant 0 : index
    %get3A_3 = arith.constant 0 : index
    %get3A_4 = arith.constant 0 : index
    %get3A_5 = vector.load %arg0[%get3A_2, %get3A_3, %get3A_4] : memref<2x10240x128xf32, #tpu.memory_space<vmem>>, vector<1x10000x16xf32>
    %get3A_6 = vector.shape_cast %get3A_5 : vector<1x10000x16xf32> to vector<10000x16xf32>
    %get3A_7 = arith.constant 1 : index
    %get3A_8 = arith.constant 0 : index
    %get3A_9 = arith.constant 0 : index
    %get3A_10 = vector.load %arg0[%get3A_7, %get3A_8, %get3A_9] : memref<2x10240x128xf32, #tpu.memory_space<vmem>>, vector<1x10000x16xf32>
    %get3A_11 = vector.shape_cast %get3A_10 : vector<1x10000x16xf32> to vector<10000x16xf32>
    %add3A = arith.addf %get3A_6, %get3A_11 : vector<10000x16xf32>
    %get3A_12 = arith.constant 0 : index
    %get3A_13 = arith.constant 0 : index
    %get3A_14 = vector.load %arg1[%get3A_12, %get3A_13] : memref<10240x128xf32, #tpu.memory_space<vmem>>, vector<10000x16xf32>
    %add3A_15 = arith.addf %add3A, %get3A_14 : vector<10000x16xf32>
    %mul3A = arith.mulf %get3A_1, %add3A_15 : vector<10000x16xf32>
    %get3A_16 = arith.constant 0 : index
    %get3A_17 = vector.load %arg3[%get3A_16] : memref<16xf32, #tpu.memory_space<vmem>>, vector<16xf32>
    %broadcast_in_dim3A = vector.shape_cast %get3A_17 : vector<16xf32> to vector<1x16xf32>
    %add3A_18 = vector.broadcast %broadcast_in_dim3A : vector<1x16xf32> to vector<10000x16xf32>
    %add3A_19 = arith.addf %mul3A, %add3A_18 : vector<10000x16xf32>
    %max3A = arith.constant 0.000000e+00 : f32
    %max3A_20 = vector.broadcast %max3A : f32 to vector<10000x16xf32>
    %max3A_21 = arith.maximumf %add3A_19, %max3A_20 : vector<10000x16xf32>
    %mul3A_22 = arith.mulf %get3A_1, %max3A_21 : vector<10000x16xf32>
    %swap3A = arith.constant 0 : index
    %swap3A_23 = arith.constant 0 : index
    %swap3A_24 = vector.load %arg4[%swap3A, %swap3A_23] : memref<10240x128xf32, #tpu.memory_space<vmem>>, vector<10000x16xf32>
    tpu.vector_store %arg4[%swap3A, %swap3A_23], %mul3A_22 {strides = array<i32>} : memref<10240x128xf32, #tpu.memory_space<vmem>>, vector<10000x16xf32>,
    %broadcast_in_dim3A_25 = arith.constant 0.000000e+00 : f32
    %broadcast_in_dim3A_26 = vector.broadcast %broadcast_in_dim3A_25 : f32 to vector<10000x112xf32>
    %swap3A_27 = arith.constant 0 : index
    %swap3A_28 = arith.constant 16 : index
    %swap3A_29 = vector.load %arg4[%swap3A_27, %swap3A_28] : memref<10240x128xf32, #tpu.memory_space<vmem>>, vector<10000x112xf32>
    tpu.vector_store %arg4[%swap3A_27, %swap3A_28], %broadcast_in_dim3A_26 {strides = array<i32>} : memref<10240x128xf32, #tpu.memory_space<vmem>>, vector<10000x112xf32>,
    %broadcast_in_dim3A_30 = arith.constant 0.000000e+00 : f32
    %broadcast_in_dim3A_31 = vector.broadcast %broadcast_in_dim3A_30 : f32 to vector<240x128xf32>
    %swap3A_32 = arith.constant 10000 : index
    %swap3A_33 = arith.constant 0 : index
    %swap3A_34 = vector.load %arg4[%swap3A_32, %swap3A_33] : memref<10240x128xf32, #tpu.memory_space<vmem>>, vector<240x128xf32>
    tpu.vector_store %arg4[%swap3A_32, %swap3A_33], %broadcast_in_dim3A_31 {strides = array<i32>} : memref<10240x128xf32, #tpu.memory_space<vmem>>, vector<240x128xf32>,
    return
  }
}

module attributes {stable_mosaic.version = 14 : i64} {
  func.func @body(%arg0: memref<2x10240x128xf32, #tpu.memory_space<vmem>>, %arg1: memref<10240x128xf32, #tpu.memory_space<vmem>>, %arg2: memref<10000x16xf32, #tpu.memory_space<vmem>>, %arg3: memref<16x40xf32, #tpu.memory_space<vmem>>, %arg4: memref<40xf32, #tpu.memory_space<vmem>>, %arg5: memref<10000x40xf32, #tpu.memory_space<vmem>>) attributes {dimension_semantics = [], scalar_prefetch = 0 : i64, scratch_operands = 0 : i64, tpu.core_type = #tpu.core_type<tc>} {
    %get3A = arith.constant 0 : index
    %get3A_0 = arith.constant 0 : index
    %get3A_1 = vector.load %arg2[%get3A, %get3A_0] : memref<10000x16xf32, #tpu.memory_space<vmem>>, vector<10000x16xf32>
    %get3A_2 = arith.constant 0 : index
    %get3A_3 = arith.constant 0 : index
    %get3A_4 = arith.constant 0 : index
    %get3A_5 = vector.load %arg0[%get3A_2, %get3A_3, %get3A_4] : memref<2x10240x128xf32, #tpu.memory_space<vmem>>, vector<1x10000x16xf32>
    %get3A_6 = vector.shape_cast %get3A_5 : vector<1x10000x16xf32> to vector<10000x16xf32>
    %get3A_7 = arith.constant 1 : index
    %get3A_8 = arith.constant 0 : index
    %get3A_9 = arith.constant 0 : index
    %get3A_10 = vector.load %arg0[%get3A_7, %get3A_8, %get3A_9] : memref<2x10240x128xf32, #tpu.memory_space<vmem>>, vector<1x10000x16xf32>
    %get3A_11 = vector.shape_cast %get3A_10 : vector<1x10000x16xf32> to vector<10000x16xf32>
    %add3A = arith.addf %get3A_6, %get3A_11 : vector<10000x16xf32>
    %get3A_12 = arith.constant 0 : index
    %get3A_13 = arith.constant 0 : index
    %get3A_14 = vector.load %arg1[%get3A_12, %get3A_13] : memref<10240x128xf32, #tpu.memory_space<vmem>>, vector<10000x16xf32>
    %add3A_15 = arith.addf %add3A, %get3A_14 : vector<10000x16xf32>
    %mul3A = arith.mulf %get3A_1, %add3A_15 : vector<10000x16xf32>
    %get3A_16 = arith.constant 0 : index
    %get3A_17 = arith.constant 0 : index
    %get3A_18 = vector.load %arg3[%get3A_16, %get3A_17] : memref<16x40xf32, #tpu.memory_space<vmem>>, vector<16x40xf32>
    %dot_general3A = arith.constant dense<0.000000e+00> : vector<10000x40xf32>
    %dot_general3A_19 = tpu.matmul %mul3A, %get3A_18, %dot_general3A {dimension_numbers = #tpu.dot_dimension_numbers<[1], [0], [0], [1], [0, 0, 1, 1], [], []>, transpose_lhs_hint = false} : vector<10000x16xf32>, vector<16x40xf32>, vector<10000x40xf32> -> vector<10000x40xf32>
    %get3A_20 = arith.constant 0 : index
    %get3A_21 = vector.load %arg4[%get3A_20] : memref<40xf32, #tpu.memory_space<vmem>>, vector<40xf32>
    %broadcast_in_dim3A = vector.shape_cast %get3A_21 : vector<40xf32> to vector<1x40xf32>
    %add3A_22 = vector.broadcast %broadcast_in_dim3A : vector<1x40xf32> to vector<10000x40xf32>
    %add3A_23 = arith.addf %dot_general3A_19, %add3A_22 : vector<10000x40xf32>
    %swap3A = arith.constant 0 : index
    %swap3A_24 = arith.constant 0 : index
    %swap3A_25 = vector.load %arg5[%swap3A, %swap3A_24] : memref<10000x40xf32, #tpu.memory_space<vmem>>, vector<10000x40xf32>
    tpu.vector_store %arg5[%swap3A, %swap3A_24], %add3A_23 {strides = array<i32>} : memref<10000x40xf32, #tpu.memory_space<vmem>>, vector<10000x40xf32>,
    return
  }
}

</mosaic_0001>

<sc_bundles>
// kernel: kernel.12.cloned.1.call-start
scs
__scs_entry_jumppad:
0x0: {  	(pc) =	sbr.rel $0x88, $3  }
0x1: {  	(tag) =	ssettag $0x0;
	lr =	simm.s32 $0x1  }
0x2: {  	[smem:$0x3F9B] =	sst lr;
	_ =	strace $0xD0000000  }
0x3: {  	_ = 	snop  }
0x4: {  	_ = 	snop  }
0x5: {  	_ = 	snop  }
0x6: {  	_ = 	snop  }
0x7: {  	_ = 	snop  }
__scs_overlays_trampoline_lowered:
0x8: {  	[smem:$0x3FAA] =	sst s0  }
0x9: {  	[smem:$0x3FAB] =	sst s1  }
0xa: {  	[smem:$0x3FAC] =	sst s2  }
0xb: {  	[smem:$0x3FAD] =	sst s3  }
0xc: {  	[smem:$0x3FAE] =	sst s4  }
0xd: {  	[smem:$0x3FAF] =	sst s5  }
0xe: {  	[smem:$0x3FB0] =	sst s6  }
0xf: {  	[smem:$0x3FB1] =	sst s7  }
0x10: {  	[smem:$0x3FB2] =	sst s8  }
0x11: {  	[smem:$0x3FB3] =	sst s9;
	s0 =	simm.s32 @!p0 $0x0  }
0x12: {  	s1 =	sld [smem:$0x3F99];
	s0 =	simm.s32 @p0 $0x1  }
0x13: {  	[smem:$0x3FB4] =	sst s0;
	s0 =	simm.s32 @!p1 $0x0  }
0x14: {  	s2 =	sld [smem:$0x3F98];
	s0 =	simm.s32 @p1 $0x1  }
0x15: {  	[smem:$0x3FB5] =	sst s0;
	s0 =	simm.s32 @!p2 $0x0  }
0x16: {  	s3 =	sld [smem:$0x3FDB];
	s0 =	simm.s32 @p2 $0x1  }
0x17: {  	s4 =	simm.s32 $0x1BF5;
	[smem:$0x3FB7] =	sst s0  }
0x18: {  	s0 =	sld [smem:$0x3F9A];
	_ =	swait.ge [sflag:s4], $0x0  }
0x19: {  	s7 =	sld [smem:$0x3F9B]  }
0x1a: {  	s8 =	sadd.s32 $0xFFFFE003, lr  }
0x1b: {  	s9 =	sadd.s32 $0xFFFFFEF7, lr;
	s5 =	simm.s32 $0xFFFFFFFF;
	p2 =	slt.u32 s8, $0xFFFFF086  }
0x1c: {  	p1 =	slt.u32 s9, $0xF7A;
	s5 =	simm.s32 @!p2 $0x0  }
0x1d: {  	s5 =	simm.s32 @p1 $0x1;
	p0 =	seq.s32 s7, s2  }
0x1e: {  	s7 =	smul.u32 @!p0 $0xF7A, s2;
	p2 =	seq.s32 @!p0 s5, $0x0  }
0x1f: {  	s9 =	smul.u32 $0xF7A, s1;
	s8 =	simm.s32 @!p0 $0x1BF5;
	p2 =	por !p2, p0  }
0x20: {  	[sflag:s8] =	ssyncset.s32 @!p0 $0xFFFFF086;
	s6 =	sadd.s32 @!p0 s3, s7;
	s7 =	simm.s32 @!p0 $0x108  }
0x21: {  	s3 =	sadd.s32 s3, s9;
	s6 =	sadd.s32 @!p0 $0x88, s6;
	s7 =	simm.s32 @p2 $0x1082  }
0x22: {  	[simem:s7], [sflag:s8] =	dma.local @!p0 [hbm:s6], $0xF7A  }
0x23: {  	s9 =	sor.u32 $0xD0000000, s2;
	s6 =	simm.s32 $0x108;
	_ =	swait.ge @!p0 [sflag:s8], $0x0  }
0x24: {  	s3 =	sadd.s32 $0x88, s3;
	s6 =	simm.s32 @!p1 $0x1082;
	[sflag:s4] =	ssyncset.s32 $0xFFFFF086  }
0x25: {  	[simem:s6], [sflag:s4] =	dma.local [hbm:s3], $0xF7A  }
0x26: {  	[smem:$0x3F9B] =	sst s1;
	(tag) =	ssettag s2;
	_ =	strace s9  }
0x27: {  	s1 =	sld [smem:$0x3FAB]  }
0x28: {  	s2 =	sld [smem:$0x3FAC]  }
0x29: {  	s4 =	sld [smem:$0x3FAE]  }
0x2a: {  	p0 =	seq.s32 s5, $0x0;
	s5 =	sld [smem:$0x3FAF]  }
0x2b: {  	s6 =	sld [smem:$0x3FB0]  }
0x2c: {  	s7 =	sld [smem:$0x3FB1]  }
0x2d: {  	s3 =	simm.s32 $0x108;
	s8 =	sld [smem:$0x3FB2]  }
0x2e: {  	s3 =	simm.s32 @!p0 $0x1082;
	s9 =	sld [smem:$0x3FB3]  }
0x2f: {  	lr =	sadd.s32 s0, s3;
	s0 =	sld [smem:$0x3FAA]  }
0x30: {  	s3 =	sld [smem:$0x3FAD]  }
0x31: {  	[smem:$0x3FB6] =	sst s10  }
0x32: {  	s10 =	sld [smem:$0x3FB4];
	_ =	sdelay $0x3  }
0x33: {  	p0 =	seq.s32 s10, $0x1;
	s10 =	sld [smem:$0x3FB6];
	_ =	sdelay $0x3  }
0x34: {  	[smem:$0x3FB6] =	sst s10  }
0x35: {  	s10 =	sld [smem:$0x3FB5];
	_ =	sdelay $0x3  }
0x36: {  	p1 =	seq.s32 s10, $0x1;
	s10 =	sld [smem:$0x3FB6];
	_ =	sdelay $0x3  }
0x37: {  	[smem:$0x3FB6] =	sst s10  }
0x38: {  	s10 =	sld [smem:$0x3FB7]  }
0x39: {  	_ = 	snop;
	(pc) =	sbr.ind lr, $3  }
0x3a: {  	_ = 	snop  }
0x3b: {  	_ = 	snop  }
0x3c: {  	p2 =	seq.s32 s10, $0x1;
	s10 =	sld [smem:$0x3FB6]  }
0x3d: {  	_ =	shalt  }
0x3e: {  	_ =	shalt  }
0x3f: {  	_ =	shalt  }
0x40: {  	_ =	shalt  }
0x41: {  	_ =	shalt  }
0x42: {  	_ =	shalt  }
0x43: {  	_ =	shalt  }
0x44: {  	_ =	shalt  }
0x45: {  	_ =	shalt  }
0x46: {  	_ =	shalt  }
0x47: {  	_ =	shalt  }
0x48: {  	_ =	shalt  }
0x49: {  	_ =	shalt  }
0x4a: {  	_ =	shalt  }
0x4b: {  	_ =	shalt  }
0x4c: {  	_ =	shalt  }
0x4d: {  	_ =	shalt  }
0x4e: {  	_ =	shalt  }
0x4f: {  	_ =	shalt  }
0x50: {  	_ =	shalt  }
0x51: {  	_ =	shalt  }
0x52: {  	_ =	shalt  }
0x53: {  	_ =	shalt  }
0x54: {  	_ =	shalt  }
0x55: {  	_ =	shalt  }
0x56: {  	_ =	shalt  }
0x57: {  	_ =	shalt  }
0x58: {  	_ =	shalt  }
0x59: {  	_ =	shalt  }
0x5a: {  	_ =	shalt  }
0x5b: {  	_ =	shalt  }
0x5c: {  	_ =	shalt  }
0x5d: {  	_ =	shalt  }
0x5e: {  	_ =	shalt  }
0x5f: {  	_ =	shalt  }
0x60: {  	_ =	shalt  }
0x61: {  	_ =	shalt  }
0x62: {  	_ =	shalt  }
0x63: {  	_ =	shalt  }
0x64: {  	_ =	shalt  }
0x65: {  	_ =	shalt  }
0x66: {  	_ =	shalt  }
0x67: {  	_ =	shalt  }
0x68: {  	_ =	shalt  }
0x69: {  	_ =	shalt  }
0x6a: {  	_ =	shalt  }
0x6b: {  	_ =	shalt  }
0x6c: {  	_ =	shalt  }
0x6d: {  	_ =	shalt  }
0x6e: {  	_ =	shalt  }
0x6f: {  	_ =	shalt  }
0x70: {  	_ =	shalt  }
0x71: {  	_ =	shalt  }
0x72: {  	_ =	shalt  }
0x73: {  	_ =	shalt  }
0x74: {  	_ =	shalt  }
0x75: {  	_ =	shalt  }
0x76: {  	_ =	shalt  }
0x77: {  	_ =	shalt  }
0x78: {  	_ =	shalt  }
0x79: {  	_ =	shalt  }
0x7a: {  	_ =	shalt  }
0x7b: {  	_ =	shalt  }
0x7c: {  	_ =	shalt  }
0x7d: {  	_ =	shalt  }
0x7e: {  	_ =	shalt  }
0x7f: {  	_ =	shalt  }
0x80: {  	_ =	shalt  }
0x81: {  	_ =	shalt  }
0x82: {  	_ =	shalt  }
0x83: {  	_ =	shalt  }
0x84: {  	_ =	shalt  }
0x85: {  	_ =	shalt  }
0x86: {  	_ =	shalt  }
0x87: {  	_ =	shalt  }
.Lfunc_end0:
.L_simem_size_0:
called_computation.1_lowered:
.L_overlay_start_0:
0x88: {  	s2 =	sld [smem:$0x3FD9]  }
0x89: {  	s3 =	sld [smem:$0x3FFE];
	_ =	sdelay $0x1  }
0x8a: {  	s1 =	srdreg.scid  }
0x8b: {  	s0 =	sand.u32 $0x1, s1  }
0x8c: {  	s16 =	sshll.u32 s0, $0xA;
	s2 =	sadd.s32 s3, s2  }
0x8d: {  	s2 =	sadd.s32 s2, s16  }
0x8e: {  	[smem:$0x3FC2] =	sst s2  }
0x8f: {  	_ = 	snop  }
0x90: {  	(tm) =	ssettm $0x1  }
0x91: {  	s17 =	sld [smem:$0x3FFB];
	_ =	sdelay $0x3  }
0x92: {  	_ =	strace s17  }
0x93: {  	s2 =	sld [smem:$0x3FFC];
	_ =	sdelay $0x3  }
0x94: {  	_ =	strace s2  }
0x95: {  	s2 =	sld [smem:$0x3FFD];
	_ =	sdelay $0x3  }
0x96: {  	_ =	strace s2  }
0x97: {  	_ =	strace $0x8FFFFFFF  }
0x98: {  	s18 =	sld [smem:$0x3FDB];
	_ =	sdelay $0x1  }
0x99: {  	s19 =	simm.s32 $_scs_section_size  }
0x9a: {  	s4 =	simm.s32 $_size__tile_overlayer_lowered;
	s5 =	simm.s32 $_tile_overlayer_lowered  }
0x9b: {  	s22 =	simm.s32 $0x1BFF;
	s21 =	sshll.u32 s5, $0x1;
	s2 =	sadd.s32 s19, s18  }
0x9c: {  	s6 =	simm.s32 $0x0;
	s20 =	sshll.u32 s4, $0x1;
	s4 =	sadd.s32 s21, s2  }
0x9d: {  	[timem:s6], [sflag:s22] =	dma.local [hbm:s4], s20  }
0x9e: {  	_ =	swait.ge [sflag:s22], s20  }
0x9f: {  	s3 =	ssub.s32 $0x0, s20;
	[sflag:s22] =	ssyncset.done $0x0  }
0xa0: {  	[sflag:s22] =	ssyncadd.s32 s3;
	_ =	sdelay $0x1  }
0xa1: {  	s23 =	simm.s32 $0x1B8B  }
0xa2: {  	_ =	swait.ge [sflag:s23], $0x1  }
0xa3: {  	[sflag:s23] =	ssyncset.done $0x0  }
0xa4: {  	s25 =	simm.s32 $0x1B8E;
	s24 =	sld [smem:$0x3FFE];
	[sflag:s23] =	ssyncadd.s32 $0xFFFFFFFF  }
0xa5: {  	s26 =	simm.s32 $execute0_lowered;
	[smem:$0x3FD2] =	sst s25  }
0xa6: {  	s4 =	sshll.u32 s26, $0x1;
	_ =	strace $0x80000049;
	[dreg:$0x1] =	wrdreg $0xFFFFFFFF  }
0xa7: {  	s28 =	simm.s32 $_size_execute0_lowered;
	s2 =	sadd.s32 s2, s4;
	[dreg:$0x0] =	wrdreg $0x0  }
0xa8: {  	s4 =	sshll.u32 s28, $0x1;
	[dreg:$0x2] =	wrdreg s2  }
0xa9: {  	[dreg:$0x3] =	wrdreg s4  }
0xaa: {  	[dreg:$0x4] =	wrdreg $0xC0  }
0xab: {  	_ =	task [dreg:s6], $0x5FFFF  }
0xac: {  	[dreg:$0x1] =	wrdreg $0xFFFFFFFF  }
0xad: {  	[dreg:$0x0] =	wrdreg $0x60  }
0xae: {  	[dreg:$0x2] =	wrdreg s24  }
0xaf: {  	[dreg:$0x3] =	wrdreg $0x52000  }
0xb0: {  	[dreg:$0x4] =	wrdreg $0x9  }
0xb1: {  	_ =	task.clear_ibuf [dreg:s6], $0x5FFFF;
	_ =	strace $0x90000049  }
0xb2: {  	s29 =	simm.s32 $0x9;
	_ =	strace $0x8000004B  }
0xb3: {  	_ =	swait.ge [sflag:s29], $0x1  }
0xb4: {  	[sflag:s29] =	ssyncadd.s32 $0xFFFFFFFF  }
0xb5: {  	_ =	strace $0x9000004B  }
0xb6: {  	_ =	sfence  }
0xb7: {  	s30 =	sld [smem:$0x0];
	_ =	sdelay $0x2  }
0xb8: {  	s31 =	sshll.u32 s1, $0xD;
	s1 =	sshrl.u32 s1, $0x2  }
0xb9: {  	s3 =	sand.u32 $0x4000, s31;
	s1 =	sadd.s32 s1, s30  }
0xba: {  	s0 =	sor.u32 s3, s0;
	s1 =	sshll.u32 s1, $0x11  }
0xbb: {  	s0 =	sor.u32 s1, s0  }
0xbc: {  	s0 =	sadd.s32 $0x8F2B, s0  }
0xbd: {  	[sflag:s0] =	ssyncadd.remote.s32 $0x1  }
0xbe: {  	_ =	sfence.sel $0xFFFF  }
0xbf: {  	[dreg:$0x0] =	wrdreg $0xFFFFFFFF;
	(pc) =	sbr.abs _section_cstart, $3  }
0xc0: {  	[dreg:$0x1] =	wrdreg $0xFFFFFFFF  }
0xc1: {  	_ =	task.clear_ibuf [dreg:s6], $0x2FFFF;
	_ =	strace $0x9FFFFFFF  }
0xc2: {  	(tm) =	ssettm $0x7FFFFFFF  }
0xc3: {  	_ =	shalt  }
tec
execute0_lowered:
.L_overlay_start_1:
0x0: {  	(tag) =	ssettag $0x1  }
0x1: {  	s5 =	rddreg [dreg:$0x0]  }
0x2: {  	s2 =	rddreg [dreg:$0x1]  }
0x3: {  	s0 =	rddreg [dreg:$0x2]  }
0x4: {  	s1 =	stileid.u32;
	s4 =	srdreg.scid;
	s3 =	simm.s32 $0x0  }
0x5: {  	s16 =	simm.s32 $0x1;
	s17 =	simm.s32 $0x50;
	s18 =	simm.s32 $0x200  }
0x6: {  	s19 =	simm.s32 $0x2;
	s20 =	simm.s32 $0x2A00;
	s21 =	simm.s32 $0x3  }
0x7: {  	s22 =	simm.s32 $0x80;
	s23 =	simm.s32 $0x4;
	s24 =	simm.s32 $0x180  }
0x8: {  	s28 =	simm.s32 $0x0;
	s6 =	smul.u32 $0x14000, s1;
	s7 =	sand.u32 $0x1, s4  }
0x9: {  	[smem:$0x7FF] =	sst s3;
	s4 =	sadd.s32 $0x4AC00, s5;
	s12 =	sadd.s32 $0x2C00, s5  }
0xa: {  	s13 =	sshll.u32 s1, $0xF;
	s29 =	sshll.u32 s1, $0x6;
	s8 =	smul.u32 $0x140000, s7  }
0xb: {  	_ =	strace $0x8000004A;
	s10 =	ssub.s32 $0x2, s7;
	s7 =	sshll.u32 s7, $0x13  }
0xc: {  	s9 =	sshrl.u32 s6, $0x3;
	s11 =	sshrl.u32 s10, $0x1;
	s25 =	sor.u32 s13, s7  }
0xd: {  	s26 =	sadd.s32 s6, s2;
	s8 =	sadd.s32 s6, s8;
	s9 =	sadd.s32 s9, s5  }
0xe: {  	s10 =	ssub.s32 s10, s11;
	s7 =	sshrl.u32 s25, $0x3;
	s6 =	sor.u32 $0x1C07, s29  }
0xf: {  	s15 =	sor.u32 $0x300, s25;
	s11 =	sor.u32 $0x200, s25;
	s13 =	sshrl.u32 s26, $0x3  }
0x10: {  	s25 =	simm.s32 $0x5;
	s26 =	simm.s32 $0x6;
	s8 =	sshrl.u32 s8, $0x3  }
0x11: {  	s7 =	sadd.s32 s12, s7;
	s30 =	sshrl.u32 s15, $0x3;
	s31 =	sshrl.u32 s11, $0x3  }
0x12: {  	s10 =	smax.u32 s10, $0x1;
	s15 =	simm.s32 $0x100;
	s14 =	sadd.s32 s8, s5  }
0x13: {  	s5 =	sadd.s32 $0x22C00, s9;
	s8 =	sadd.s32 $0x20, s7;
	s11 =	sadd.s32 s30, s12  }
0x14: {  	s12 =	sadd.s32 s31, s12;
	s9 =	sadd.s32 $0x72C00, s14;
	s14 =	simm.s32 $0x7  }
.LBB2_1:
0x15: {  	[spmem:s13], [sflag:s6] =	dma.local [hbm:s5], $0x2800  }
0x16: {  	_ =	swait.ge [sflag:s14], $0x2800  }
0x17: {  	[sflag:s14] =	ssyncset.done $0x0  }
0x18: {  	[sflag:s14] =	ssyncadd.s32 $0xFFFFD800  }
0x19: {  	[bflag:$0x0] =	sbarrier.arrive $0xFFFF  }
0x1a: {  	[tilespmem:s3], [sflag:$0x1] =	stream.linear.gather [hbm4b:s7+s3], $0x100, $0x38;
	[tilespmem:$0x19200] =	vst v63  }
0x1b: {  	_ = 	snop  }
0x1c: {  	[tilespmem:s15], [sflag:$0x2] =	stream.linear.gather [hbm4b:s8+s3], $0x100, $0x38;
	[tilespmem:$0x19200] =	vst v63  }
0x1d: {  	_ =	swait.ge [sflag:s16], $0x100  }
0x1e: {  	[sflag:s16] =	ssyncset.done $0x0  }
0x1f: {  	[sflag:s16] =	ssyncadd.s32 $0xFFFFFF00  }
0x20: {  	[tilespmem:s18], [sflag:$0x3] =	stream.indirect.gather [hbm4b:s4+s17], $0x80, s3, s17, $0xb8;
	[tilespmem:$0x19200] =	vst v63  }
0x21: {  	_ =	swait.ge [sflag:s19], $0x100  }
0x22: {  	[sflag:s19] =	ssyncset.done $0x0  }
0x23: {  	[sflag:s19] =	ssyncadd.s32 $0xFFFFFF00  }
0x24: {  	[tilespmem:s20], [sflag:$0x4] =	stream.indirect.gather [hbm4b:s4+s17], $0x80, s15, s17, $0xb8;
	[tilespmem:$0x19200] =	vst v63  }
0x25: {  	_ =	swait.ge [sflag:s21], $0x2800  }
0x26: {  	[sflag:s21] =	ssyncset.done $0x0  }
0x27: {  	[sflag:s21] =	ssyncadd.s32 $0xFFFFD800  }
0x28: {  	[spmem:s2] =	stream.indirect.scatter.add.f32 [tilespmem:s18], [sflag:$0x5], $0x80, s22, s17, $0xb8;
	[tilespmem:$0x19200] =	vst v63  }
0x29: {  	_ =	swait.ge [sflag:s23], $0x2800  }
0x2a: {  	[sflag:s23] =	ssyncset.done $0x0  }
0x2b: {  	[sflag:s23] =	ssyncadd.s32 $0xFFFFD800  }
0x2c: {  	[spmem:s2] =	stream.indirect.scatter.add.f32 [tilespmem:s20], [sflag:$0x6], $0x80, s24, s17, $0xb8;
	[tilespmem:$0x19200] =	vst v63  }
0x2d: {  	_ =	swait.ge [sflag:s25], $0x2800  }
0x2e: {  	[sflag:s25] =	ssyncset.done $0x0  }
0x2f: {  	s29 =	sadd.s32 $0x0, s12;
	[sflag:s25] =	ssyncadd.s32 $0xFFFFD800  }
0x30: {  	[tilespmem:s3], [sflag:$0x1] =	stream.linear.gather [hbm4b:s29+s3], $0x100, $0x38;
	[tilespmem:$0x19200] =	vst v63  }
0x31: {  	_ =	swait.ge [sflag:s26], $0x2800  }
0x32: {  	[sflag:s26] =	ssyncset.done $0x0  }
0x33: {  	s29 =	sadd.s32 $0x0, s11;
	[sflag:s26] =	ssyncadd.s32 $0xFFFFD800  }
0x34: {  	[tilespmem:s15], [sflag:$0x2] =	stream.linear.gather [hbm4b:s29+s3], $0x100, $0x38;
	[tilespmem:$0x19200] =	vst v63  }
0x35: {  	_ =	swait.ge [sflag:s16], $0x100  }
0x36: {  	[sflag:s16] =	ssyncset.done $0x0  }
0x37: {  	[sflag:s16] =	ssyncadd.s32 $0xFFFFFF00  }
0x38: {  	[tilespmem:s18], [sflag:$0x3] =	stream.indirect.gather [hbm4b:s4+s17], $0x80, s3, s17, $0xb8;
	[tilespmem:$0x19200] =	vst v63  }
0x39: {  	_ =	swait.ge [sflag:s19], $0x100  }
0x3a: {  	[sflag:s19] =	ssyncset.done $0x0  }
0x3b: {  	s29 =	simm.s32 $0x40;
	[sflag:s19] =	ssyncadd.s32 $0xFFFFFF00  }
.LBB2_2:
0x3c: {  	[tilespmem:s20], [sflag:$0x4] =	stream.indirect.gather [hbm4b:s4+s17], $0x80, s15, s17, $0xb8;
	[tilespmem:$0x19200] =	vst v63  }
0x3d: {  	s30 =	smov.u32 s29  }
0x3e: {  	p0 =	sne.s32 s29, $0xF80;
	s29 =	sadd.s32 $0x40, s29;
	_ =	swait.ge [sflag:s21], $0x2800  }
0x3f: {  	[sflag:s21] =	ssyncset.done $0x0  }
0x40: {  	[sflag:s21] =	ssyncadd.s32 $0xFFFFD800  }
0x41: {  	[spmem:s2] =	stream.indirect.scatter.add.f32 [tilespmem:s18], [sflag:$0x5], $0x80, s22, s17, $0xb8;
	[tilespmem:$0x19200] =	vst v63  }
0x42: {  	_ =	swait.ge [sflag:s23], $0x2800  }
0x43: {  	[sflag:s23] =	ssyncset.done $0x0  }
0x44: {  	[sflag:s23] =	ssyncadd.s32 $0xFFFFD800  }
0x45: {  	[spmem:s2] =	stream.indirect.scatter.add.f32 [tilespmem:s20], [sflag:$0x6], $0x80, s24, s17, $0xb8;
	[tilespmem:$0x19200] =	vst v63  }
0x46: {  	_ =	swait.ge [sflag:s25], $0x2800  }
0x47: {  	[sflag:s25] =	ssyncset.done $0x0  }
0x48: {  	s31 =	sadd.s32 s30, s12;
	[sflag:s25] =	ssyncadd.s32 $0xFFFFD800  }
0x49: {  	[tilespmem:s3], [sflag:$0x1] =	stream.linear.gather [hbm4b:s31+s3], $0x100, $0x38;
	[tilespmem:$0x19200] =	vst v63  }
0x4a: {  	_ =	swait.ge [sflag:s26], $0x2800  }
0x4b: {  	[sflag:s26] =	ssyncset.done $0x0  }
0x4c: {  	s30 =	sadd.s32 s30, s11;
	[sflag:s26] =	ssyncadd.s32 $0xFFFFD800  }
0x4d: {  	[tilespmem:s15], [sflag:$0x2] =	stream.linear.gather [hbm4b:s30+s3], $0x100, $0x38;
	[tilespmem:$0x19200] =	vst v63  }
0x4e: {  	_ =	swait.ge [sflag:s16], $0x100  }
0x4f: {  	[sflag:s16] =	ssyncset.done $0x0  }
.Ltmp0:
0x50: {  	[sflag:s16] =	ssyncadd.s32 $0xFFFFFF00;
	(pc) =	sbr.rel @p0 .LBB2_2-.Ltmp0, $4  }
0x51: {  	[tilespmem:s18], [sflag:$0x3] =	stream.indirect.gather [hbm4b:s4+s17], $0x80, s3, s17, $0xb8;
	[tilespmem:$0x19200] =	vst v63  }
0x52: {  	_ =	swait.ge [sflag:s19], $0x100  }
0x53: {  	[sflag:s19] =	ssyncset.done $0x0  }
0x54: {  	[sflag:s19] =	ssyncadd.s32 $0xFFFFFF00  }
0x55: {  	[tilespmem:s20], [sflag:$0x4] =	stream.indirect.gather [hbm4b:s4+s17], $0x80, s15, s17, $0xb8;
	[tilespmem:$0x19200] =	vst v63  }
0x56: {  	_ =	swait.ge [sflag:s21], $0x2800  }
0x57: {  	[sflag:s21] =	ssyncset.done $0x0  }
0x58: {  	[sflag:s21] =	ssyncadd.s32 $0xFFFFD800  }
0x59: {  	[spmem:s2] =	stream.indirect.scatter.add.f32 [tilespmem:s18], [sflag:$0x5], $0x80, s22, s17, $0xb8;
	[tilespmem:$0x19200] =	vst v63  }
0x5a: {  	_ =	swait.ge [sflag:s23], $0x2800  }
0x5b: {  	[sflag:s23] =	ssyncset.done $0x0  }
0x5c: {  	[sflag:s23] =	ssyncadd.s32 $0xFFFFD800  }
0x5d: {  	[spmem:s2] =	stream.indirect.scatter.add.f32 [tilespmem:s20], [sflag:$0x6], $0x80, s24, s17, $0xb8;
	[tilespmem:$0x19200] =	vst v63  }
0x5e: {  	_ =	swait.ge [sflag:s25], $0x2800  }
0x5f: {  	[sflag:s25] =	ssyncset.done $0x0  }
0x60: {  	[sflag:s25] =	ssyncadd.s32 $0xFFFFD800  }
0x61: {  	_ =	swait.ge [sflag:s26], $0x2800  }
0x62: {  	s28 =	sadd.s32 $0x1, s28;
	[sflag:s26] =	ssyncset.done $0x0  }
0x63: {  	p0 =	sne.s32 s28, s10;
	[sflag:s26] =	ssyncadd.s32 $0xFFFFD800  }
.Ltmp1:
0x64: {  	[bflag:$0x0] =	sbarrier.arrive $0xFFFF;
	(pc) =	sbr.rel @p0 .LBB2_1-.Ltmp1, $4  }
0x65: {  	[hbm:s9], [sflag:s6] =	dma.local [spmem:s13], $0x2800  }
0x66: {  	_ =	swait.ge [sflag:s14], $0x2800  }
0x67: {  	[sflag:s14] =	ssyncset.done $0x0  }
0x68: {  	[sflag:s14] =	ssyncadd.s32 $0xFFFFD800  }
0x69: {  	_ =	sfence.sel $0x180000  }
0x6a: {  	[bflag:$0x0] =	sbarrier.arrive $0xFFFF  }
0x6b: {  	p0 =	sne.s32 s1, $0x0;
	_ =	strace $0x9000004A  }
0x6c: {  	s0 =	sadd.s32 @!p0 $0x100000, s0;
	[bflag:$0x2] =	sbarrier.arrive $0xFFFF  }
0x6d: {  	[sflag:s0] =	ssyncadd.tile.s32 @!p0 $0x1;
	_ =	shalt  }
.Lfunc_end2:
_tile_overlayer_lowered:
.L_overlay_start_2:
0x6e: {  	(tag) =	ssettag $0x2  }
0x6f: {  	s0 =	rddreg [dreg:$0x0];
	s2 =	stileid.u32  }
0x70: {  	s1 =	rddreg [dreg:$0x1];
	p0 =	sne.s32 s2, $0x0  }
0x71: {  	s3 =	rddreg [dreg:$0x2];
	[bflag:$0x3] =	sbarrier.arrive $0xFFFF;
	s2 =	simm.s32 @!p0 $0x1C07  }
0x72: {  	[timem:s3], [sflag:s2] =	dma.local @!p0 [hbm:s0], s1  }
0x73: {  	s0 =	simm.s32 @!p0 $0x7  }
0x74: {  	_ =	swait.ge @!p0 [sflag:s0], s1  }
0x75: {  	s1 =	ssub.s32 @!p0 $0x0, s1;
	[sflag:s0] =	ssyncset.done @!p0 $0x0  }
0x76: {  	[sflag:s0] =	ssyncadd.s32 @!p0 s1  }
0x77: {  	[bflag:$0x3] =	sbarrier.arrive $0xFFFF  }
0x78: {  	_ =	shalt  }

// kernel: kernel.15.cloned.1.call-start
scs
__scs_entry_jumppad:
0x0: {  	(pc) =	sbr.rel $0x88, $3  }
0x1: {  	(tag) =	ssettag $0x0;
	lr =	simm.s32 $0x1  }
0x2: {  	[smem:$0x3F9B] =	sst lr;
	_ =	strace $0xD0000000  }
0x3: {  	_ = 	snop  }
0x4: {  	_ = 	snop  }
0x5: {  	_ = 	snop  }
0x6: {  	_ = 	snop  }
0x7: {  	_ = 	snop  }
__scs_overlays_trampoline_lowered:
0x8: {  	[smem:$0x3FAA] =	sst s0  }
0x9: {  	[smem:$0x3FAB] =	sst s1  }
0xa: {  	[smem:$0x3FAC] =	sst s2  }
0xb: {  	[smem:$0x3FAD] =	sst s3  }
0xc: {  	[smem:$0x3FAE] =	sst s4  }
0xd: {  	[smem:$0x3FAF] =	sst s5  }
0xe: {  	[smem:$0x3FB0] =	sst s6  }
0xf: {  	[smem:$0x3FB1] =	sst s7  }
0x10: {  	[smem:$0x3FB2] =	sst s8  }
0x11: {  	[smem:$0x3FB3] =	sst s9;
	s0 =	simm.s32 @!p0 $0x0  }
0x12: {  	s1 =	sld [smem:$0x3F99];
	s0 =	simm.s32 @p0 $0x1  }
0x13: {  	[smem:$0x3FB4] =	sst s0;
	s0 =	simm.s32 @!p1 $0x0  }
0x14: {  	s2 =	sld [smem:$0x3F98];
	s0 =	simm.s32 @p1 $0x1  }
0x15: {  	[smem:$0x3FB5] =	sst s0;
	s0 =	simm.s32 @!p2 $0x0  }
0x16: {  	s3 =	sld [smem:$0x3FDB];
	s0 =	simm.s32 @p2 $0x1  }
0x17: {  	s4 =	simm.s32 $0x1BF5;
	[smem:$0x3FB7] =	sst s0  }
0x18: {  	s0 =	sld [smem:$0x3F9A];
	_ =	swait.ge [sflag:s4], $0x0  }
0x19: {  	s7 =	sld [smem:$0x3F9B]  }
0x1a: {  	s8 =	sadd.s32 $0xFFFFE003, lr  }
0x1b: {  	s9 =	sadd.s32 $0xFFFFFEF7, lr;
	s5 =	simm.s32 $0xFFFFFFFF;
	p2 =	slt.u32 s8, $0xFFFFF086  }
0x1c: {  	p1 =	slt.u32 s9, $0xF7A;
	s5 =	simm.s32 @!p2 $0x0  }
0x1d: {  	s5 =	simm.s32 @p1 $0x1;
	p0 =	seq.s32 s7, s2  }
0x1e: {  	s7 =	smul.u32 @!p0 $0xF7A, s2;
	p2 =	seq.s32 @!p0 s5, $0x0  }
0x1f: {  	s9 =	smul.u32 $0xF7A, s1;
	s8 =	simm.s32 @!p0 $0x1BF5;
	p2 =	por !p2, p0  }
0x20: {  	[sflag:s8] =	ssyncset.s32 @!p0 $0xFFFFF086;
	s6 =	sadd.s32 @!p0 s3, s7;
	s7 =	simm.s32 @!p0 $0x108  }
0x21: {  	s3 =	sadd.s32 s3, s9;
	s6 =	sadd.s32 @!p0 $0x88, s6;
	s7 =	simm.s32 @p2 $0x1082  }
0x22: {  	[simem:s7], [sflag:s8] =	dma.local @!p0 [hbm:s6], $0xF7A  }
0x23: {  	s9 =	sor.u32 $0xD0000000, s2;
	s6 =	simm.s32 $0x108;
	_ =	swait.ge @!p0 [sflag:s8], $0x0  }
0x24: {  	s3 =	sadd.s32 $0x88, s3;
	s6 =	simm.s32 @!p1 $0x1082;
	[sflag:s4] =	ssyncset.s32 $0xFFFFF086  }
0x25: {  	[simem:s6], [sflag:s4] =	dma.local [hbm:s3], $0xF7A  }
0x26: {  	[smem:$0x3F9B] =	sst s1;
	(tag) =	ssettag s2;
	_ =	strace s9  }
0x27: {  	s1 =	sld [smem:$0x3FAB]  }
0x28: {  	s2 =	sld [smem:$0x3FAC]  }
0x29: {  	s4 =	sld [smem:$0x3FAE]  }
0x2a: {  	p0 =	seq.s32 s5, $0x0;
	s5 =	sld [smem:$0x3FAF]  }
0x2b: {  	s6 =	sld [smem:$0x3FB0]  }
0x2c: {  	s7 =	sld [smem:$0x3FB1]  }
0x2d: {  	s3 =	simm.s32 $0x108;
	s8 =	sld [smem:$0x3FB2]  }
0x2e: {  	s3 =	simm.s32 @!p0 $0x1082;
	s9 =	sld [smem:$0x3FB3]  }
0x2f: {  	lr =	sadd.s32 s0, s3;
	s0 =	sld [smem:$0x3FAA]  }
0x30: {  	s3 =	sld [smem:$0x3FAD]  }
0x31: {  	[smem:$0x3FB6] =	sst s10  }
0x32: {  	s10 =	sld [smem:$0x3FB4];
	_ =	sdelay $0x3  }
0x33: {  	p0 =	seq.s32 s10, $0x1;
	s10 =	sld [smem:$0x3FB6];
	_ =	sdelay $0x3  }
0x34: {  	[smem:$0x3FB6] =	sst s10  }
0x35: {  	s10 =	sld [smem:$0x3FB5];
	_ =	sdelay $0x3  }
0x36: {  	p1 =	seq.s32 s10, $0x1;
	s10 =	sld [smem:$0x3FB6];
	_ =	sdelay $0x3  }
0x37: {  	[smem:$0x3FB6] =	sst s10  }
0x38: {  	s10 =	sld [smem:$0x3FB7]  }
0x39: {  	_ = 	snop;
	(pc) =	sbr.ind lr, $3  }
0x3a: {  	_ = 	snop  }
0x3b: {  	_ = 	snop  }
0x3c: {  	p2 =	seq.s32 s10, $0x1;
	s10 =	sld [smem:$0x3FB6]  }
0x3d: {  	_ =	shalt  }
0x3e: {  	_ =	shalt  }
0x3f: {  	_ =	shalt  }
0x40: {  	_ =	shalt  }
0x41: {  	_ =	shalt  }
0x42: {  	_ =	shalt  }
0x43: {  	_ =	shalt  }
0x44: {  	_ =	shalt  }
0x45: {  	_ =	shalt  }
0x46: {  	_ =	shalt  }
0x47: {  	_ =	shalt  }
0x48: {  	_ =	shalt  }
0x49: {  	_ =	shalt  }
0x4a: {  	_ =	shalt  }
0x4b: {  	_ =	shalt  }
0x4c: {  	_ =	shalt  }
0x4d: {  	_ =	shalt  }
0x4e: {  	_ =	shalt  }
0x4f: {  	_ =	shalt  }
0x50: {  	_ =	shalt  }
0x51: {  	_ =	shalt  }
0x52: {  	_ =	shalt  }
0x53: {  	_ =	shalt  }
0x54: {  	_ =	shalt  }
0x55: {  	_ =	shalt  }
0x56: {  	_ =	shalt  }
0x57: {  	_ =	shalt  }
0x58: {  	_ =	shalt  }
0x59: {  	_ =	shalt  }
0x5a: {  	_ =	shalt  }
0x5b: {  	_ =	shalt  }
0x5c: {  	_ =	shalt  }
0x5d: {  	_ =	shalt  }
0x5e: {  	_ =	shalt  }
0x5f: {  	_ =	shalt  }
0x60: {  	_ =	shalt  }
0x61: {  	_ =	shalt  }
0x62: {  	_ =	shalt  }
0x63: {  	_ =	shalt  }
0x64: {  	_ =	shalt  }
0x65: {  	_ =	shalt  }
0x66: {  	_ =	shalt  }
0x67: {  	_ =	shalt  }
0x68: {  	_ =	shalt  }
0x69: {  	_ =	shalt  }
0x6a: {  	_ =	shalt  }
0x6b: {  	_ =	shalt  }
0x6c: {  	_ =	shalt  }
0x6d: {  	_ =	shalt  }
0x6e: {  	_ =	shalt  }
0x6f: {  	_ =	shalt  }
0x70: {  	_ =	shalt  }
0x71: {  	_ =	shalt  }
0x72: {  	_ =	shalt  }
0x73: {  	_ =	shalt  }
0x74: {  	_ =	shalt  }
0x75: {  	_ =	shalt  }
0x76: {  	_ =	shalt  }
0x77: {  	_ =	shalt  }
0x78: {  	_ =	shalt  }
0x79: {  	_ =	shalt  }
0x7a: {  	_ =	shalt  }
0x7b: {  	_ =	shalt  }
0x7c: {  	_ =	shalt  }
0x7d: {  	_ =	shalt  }
0x7e: {  	_ =	shalt  }
0x7f: {  	_ =	shalt  }
0x80: {  	_ =	shalt  }
0x81: {  	_ =	shalt  }
0x82: {  	_ =	shalt  }
0x83: {  	_ =	shalt  }
0x84: {  	_ =	shalt  }
0x85: {  	_ =	shalt  }
0x86: {  	_ =	shalt  }
0x87: {  	_ =	shalt  }
.Lfunc_end0:
.L_simem_size_0:
called_computation.2_lowered:
.L_overlay_start_0:
0x88: {  	s2 =	sld [smem:$0x3FD9]  }
0x89: {  	s3 =	sld [smem:$0x3FFE];
	_ =	sdelay $0x1  }
0x8a: {  	s1 =	srdreg.scid  }
0x8b: {  	s0 =	sand.u32 $0x1, s1  }
0x8c: {  	s16 =	sshll.u32 s0, $0xA;
	s2 =	sadd.s32 s3, s2  }
0x8d: {  	s2 =	sadd.s32 s2, s16  }
0x8e: {  	[smem:$0x3FC2] =	sst s2  }
0x8f: {  	_ = 	snop  }
0x90: {  	(tm) =	ssettm $0x1  }
0x91: {  	s17 =	sld [smem:$0x3FFB];
	_ =	sdelay $0x3  }
0x92: {  	_ =	strace s17  }
0x93: {  	s2 =	sld [smem:$0x3FFC];
	_ =	sdelay $0x3  }
0x94: {  	_ =	strace s2  }
0x95: {  	s2 =	sld [smem:$0x3FFD];
	_ =	sdelay $0x3  }
0x96: {  	_ =	strace s2  }
0x97: {  	_ =	strace $0x8FFFFFFF  }
0x98: {  	s18 =	sld [smem:$0x3FDB];
	_ =	sdelay $0x1  }
0x99: {  	s19 =	simm.s32 $_scs_section_size  }
0x9a: {  	s4 =	simm.s32 $_size__tile_overlayer_lowered;
	s5 =	simm.s32 $_tile_overlayer_lowered  }
0x9b: {  	s22 =	simm.s32 $0x1BFF;
	s21 =	sshll.u32 s5, $0x1;
	s2 =	sadd.s32 s19, s18  }
0x9c: {  	s6 =	simm.s32 $0x0;
	s20 =	sshll.u32 s4, $0x1;
	s4 =	sadd.s32 s21, s2  }
0x9d: {  	[timem:s6], [sflag:s22] =	dma.local [hbm:s4], s20  }
0x9e: {  	_ =	swait.ge [sflag:s22], s20  }
0x9f: {  	s3 =	ssub.s32 $0x0, s20;
	[sflag:s22] =	ssyncset.done $0x0  }
0xa0: {  	[sflag:s22] =	ssyncadd.s32 s3;
	_ =	sdelay $0x1  }
0xa1: {  	s23 =	simm.s32 $0x1B8B  }
0xa2: {  	_ =	swait.ge [sflag:s23], $0x1  }
0xa3: {  	[sflag:s23] =	ssyncset.done $0x0  }
0xa4: {  	s25 =	simm.s32 $0x1B8E;
	s24 =	sld [smem:$0x3FFE];
	[sflag:s23] =	ssyncadd.s32 $0xFFFFFFFF  }
0xa5: {  	s26 =	simm.s32 $execute0_lowered;
	[smem:$0x3FD2] =	sst s25  }
0xa6: {  	s4 =	sshll.u32 s26, $0x1;
	_ =	strace $0x8000004C;
	[dreg:$0x1] =	wrdreg $0xFFFFFFFF  }
0xa7: {  	s28 =	simm.s32 $_size_execute0_lowered;
	s2 =	sadd.s32 s2, s4;
	[dreg:$0x0] =	wrdreg $0x0  }
0xa8: {  	s4 =	sshll.u32 s28, $0x1;
	[dreg:$0x2] =	wrdreg s2  }
0xa9: {  	[dreg:$0x3] =	wrdreg s4  }
0xaa: {  	[dreg:$0x4] =	wrdreg $0xC0  }
0xab: {  	_ =	task [dreg:s6], $0x5FFFF  }
0xac: {  	[dreg:$0x1] =	wrdreg $0xFFFFFFFF  }
0xad: {  	[dreg:$0x0] =	wrdreg $0x60  }
0xae: {  	[dreg:$0x2] =	wrdreg s24  }
0xaf: {  	[dreg:$0x3] =	wrdreg $0x52000  }
0xb0: {  	[dreg:$0x4] =	wrdreg $0x9  }
0xb1: {  	_ =	task.clear_ibuf [dreg:s6], $0x5FFFF;
	_ =	strace $0x9000004C  }
0xb2: {  	s29 =	simm.s32 $0x9;
	_ =	strace $0x8000004E  }
0xb3: {  	_ =	swait.ge [sflag:s29], $0x1  }
0xb4: {  	[sflag:s29] =	ssyncadd.s32 $0xFFFFFFFF  }
0xb5: {  	_ =	strace $0x9000004E  }
0xb6: {  	_ =	sfence  }
0xb7: {  	s30 =	sld [smem:$0x0];
	_ =	sdelay $0x2  }
0xb8: {  	s31 =	sshll.u32 s1, $0xD;
	s1 =	sshrl.u32 s1, $0x2  }
0xb9: {  	s3 =	sand.u32 $0x4000, s31;
	s1 =	sadd.s32 s1, s30  }
0xba: {  	s0 =	sor.u32 s3, s0;
	s1 =	sshll.u32 s1, $0x11  }
0xbb: {  	s0 =	sor.u32 s1, s0  }
0xbc: {  	s0 =	sadd.s32 $0x8F2B, s0  }
0xbd: {  	[sflag:s0] =	ssyncadd.remote.s32 $0x1  }
0xbe: {  	_ =	sfence.sel $0xFFFF  }
0xbf: {  	[dreg:$0x0] =	wrdreg $0xFFFFFFFF;
	(pc) =	sbr.abs _section_cstart, $3  }
0xc0: {  	[dreg:$0x1] =	wrdreg $0xFFFFFFFF  }
0xc1: {  	_ =	task.clear_ibuf [dreg:s6], $0x2FFFF;
	_ =	strace $0x9FFFFFFF  }
0xc2: {  	(tm) =	ssettm $0x7FFFFFFF  }
0xc3: {  	_ =	shalt  }
tec
execute0_lowered:
.L_overlay_start_1:
0x0: {  	(tag) =	ssettag $0x1  }
0x1: {  	s5 =	rddreg [dreg:$0x0]  }
0x2: {  	s2 =	rddreg [dreg:$0x1]  }
0x3: {  	s0 =	rddreg [dreg:$0x2]  }
0x4: {  	s1 =	stileid.u32;
	s4 =	srdreg.scid;
	s3 =	simm.s32 $0x0  }
0x5: {  	s16 =	simm.s32 $0x1;
	s17 =	simm.s32 $0x50;
	s18 =	simm.s32 $0x200  }
0x6: {  	s19 =	simm.s32 $0x2;
	s20 =	simm.s32 $0x2A00;
	s21 =	simm.s32 $0x3  }
0x7: {  	s22 =	simm.s32 $0x80;
	s23 =	simm.s32 $0x4;
	s24 =	simm.s32 $0x180  }
0x8: {  	s28 =	simm.s32 $0x0;
	s6 =	smul.u32 $0x14000, s1;
	s7 =	sand.u32 $0x1, s4  }
0x9: {  	[smem:$0x7FF] =	sst s3;
	s4 =	sadd.s32 $0x4AC00, s5;
	s12 =	sadd.s32 $0x2C00, s5  }
0xa: {  	s13 =	sshll.u32 s1, $0xF;
	s29 =	sshll.u32 s1, $0x6;
	s8 =	smul.u32 $0x140000, s7  }
0xb: {  	_ =	strace $0x8000004D;
	s10 =	ssub.s32 $0x2, s7;
	s7 =	sshll.u32 s7, $0x13  }
0xc: {  	s9 =	sshrl.u32 s6, $0x3;
	s11 =	sshrl.u32 s10, $0x1;
	s25 =	sor.u32 s13, s7  }
0xd: {  	s26 =	sadd.s32 s6, s2;
	s8 =	sadd.s32 s6, s8;
	s9 =	sadd.s32 s9, s5  }
0xe: {  	s10 =	ssub.s32 s10, s11;
	s7 =	sshrl.u32 s25, $0x3;
	s6 =	sor.u32 $0x1C07, s29  }
0xf: {  	s15 =	sor.u32 $0x300, s25;
	s11 =	sor.u32 $0x200, s25;
	s13 =	sshrl.u32 s26, $0x3  }
0x10: {  	s25 =	simm.s32 $0x5;
	s26 =	simm.s32 $0x6;
	s8 =	sshrl.u32 s8, $0x3  }
0x11: {  	s7 =	sadd.s32 s12, s7;
	s30 =	sshrl.u32 s15, $0x3;
	s31 =	sshrl.u32 s11, $0x3  }
0x12: {  	s10 =	smax.u32 s10, $0x1;
	s15 =	simm.s32 $0x100;
	s14 =	sadd.s32 s8, s5  }
0x13: {  	s5 =	sadd.s32 $0x22C00, s9;
	s8 =	sadd.s32 $0x20, s7;
	s11 =	sadd.s32 s30, s12  }
0x14: {  	s12 =	sadd.s32 s31, s12;
	s9 =	sadd.s32 $0x72C00, s14;
	s14 =	simm.s32 $0x7  }
.LBB2_1:
0x15: {  	[spmem:s13], [sflag:s6] =	dma.local [hbm:s5], $0x2800  }
0x16: {  	_ =	swait.ge [sflag:s14], $0x2800  }
0x17: {  	[sflag:s14] =	ssyncset.done $0x0  }
0x18: {  	[sflag:s14] =	ssyncadd.s32 $0xFFFFD800  }
0x19: {  	[bflag:$0x0] =	sbarrier.arrive $0xFFFF  }
0x1a: {  	[tilespmem:s3], [sflag:$0x1] =	stream.linear.gather [hbm4b:s7+s3], $0x100, $0x38;
	[tilespmem:$0x19200] =	vst v63  }
0x1b: {  	_ = 	snop  }
0x1c: {  	[tilespmem:s15], [sflag:$0x2] =	stream.linear.gather [hbm4b:s8+s3], $0x100, $0x38;
	[tilespmem:$0x19200] =	vst v63  }
0x1d: {  	_ =	swait.ge [sflag:s16], $0x100  }
0x1e: {  	[sflag:s16] =	ssyncset.done $0x0  }
0x1f: {  	[sflag:s16] =	ssyncadd.s32 $0xFFFFFF00  }
0x20: {  	[tilespmem:s18], [sflag:$0x3] =	stream.indirect.gather [hbm4b:s4+s17], $0x80, s3, s17, $0xb8;
	[tilespmem:$0x19200] =	vst v63  }
0x21: {  	_ =	swait.ge [sflag:s19], $0x100  }
0x22: {  	[sflag:s19] =	ssyncset.done $0x0  }
0x23: {  	[sflag:s19] =	ssyncadd.s32 $0xFFFFFF00  }
0x24: {  	[tilespmem:s20], [sflag:$0x4] =	stream.indirect.gather [hbm4b:s4+s17], $0x80, s15, s17, $0xb8;
	[tilespmem:$0x19200] =	vst v63  }
0x25: {  	_ =	swait.ge [sflag:s21], $0x2800  }
0x26: {  	[sflag:s21] =	ssyncset.done $0x0  }
0x27: {  	[sflag:s21] =	ssyncadd.s32 $0xFFFFD800  }
0x28: {  	[spmem:s2] =	stream.indirect.scatter.add.f32 [tilespmem:s18], [sflag:$0x5], $0x80, s22, s17, $0xb8;
	[tilespmem:$0x19200] =	vst v63  }
0x29: {  	_ =	swait.ge [sflag:s23], $0x2800  }
0x2a: {  	[sflag:s23] =	ssyncset.done $0x0  }
0x2b: {  	[sflag:s23] =	ssyncadd.s32 $0xFFFFD800  }
0x2c: {  	[spmem:s2] =	stream.indirect.scatter.add.f32 [tilespmem:s20], [sflag:$0x6], $0x80, s24, s17, $0xb8;
	[tilespmem:$0x19200] =	vst v63  }
0x2d: {  	_ =	swait.ge [sflag:s25], $0x2800  }
0x2e: {  	[sflag:s25] =	ssyncset.done $0x0  }
0x2f: {  	s29 =	sadd.s32 $0x0, s12;
	[sflag:s25] =	ssyncadd.s32 $0xFFFFD800  }
0x30: {  	[tilespmem:s3], [sflag:$0x1] =	stream.linear.gather [hbm4b:s29+s3], $0x100, $0x38;
	[tilespmem:$0x19200] =	vst v63  }
0x31: {  	_ =	swait.ge [sflag:s26], $0x2800  }
0x32: {  	[sflag:s26] =	ssyncset.done $0x0  }
0x33: {  	s29 =	sadd.s32 $0x0, s11;
	[sflag:s26] =	ssyncadd.s32 $0xFFFFD800  }
0x34: {  	[tilespmem:s15], [sflag:$0x2] =	stream.linear.gather [hbm4b:s29+s3], $0x100, $0x38;
	[tilespmem:$0x19200] =	vst v63  }
0x35: {  	_ =	swait.ge [sflag:s16], $0x100  }
0x36: {  	[sflag:s16] =	ssyncset.done $0x0  }
0x37: {  	[sflag:s16] =	ssyncadd.s32 $0xFFFFFF00  }
0x38: {  	[tilespmem:s18], [sflag:$0x3] =	stream.indirect.gather [hbm4b:s4+s17], $0x80, s3, s17, $0xb8;
	[tilespmem:$0x19200] =	vst v63  }
0x39: {  	_ =	swait.ge [sflag:s19], $0x100  }
0x3a: {  	[sflag:s19] =	ssyncset.done $0x0  }
0x3b: {  	s29 =	simm.s32 $0x40;
	[sflag:s19] =	ssyncadd.s32 $0xFFFFFF00  }
.LBB2_2:
0x3c: {  	[tilespmem:s20], [sflag:$0x4] =	stream.indirect.gather [hbm4b:s4+s17], $0x80, s15, s17, $0xb8;
	[tilespmem:$0x19200] =	vst v63  }
0x3d: {  	s30 =	smov.u32 s29  }
0x3e: {  	p0 =	sne.s32 s29, $0xF80;
	s29 =	sadd.s32 $0x40, s29;
	_ =	swait.ge [sflag:s21], $0x2800  }
0x3f: {  	[sflag:s21] =	ssyncset.done $0x0  }
0x40: {  	[sflag:s21] =	ssyncadd.s32 $0xFFFFD800  }
0x41: {  	[spmem:s2] =	stream.indirect.scatter.add.f32 [tilespmem:s18], [sflag:$0x5], $0x80, s22, s17, $0xb8;
	[tilespmem:$0x19200] =	vst v63  }
0x42: {  	_ =	swait.ge [sflag:s23], $0x2800  }
0x43: {  	[sflag:s23] =	ssyncset.done $0x0  }
0x44: {  	[sflag:s23] =	ssyncadd.s32 $0xFFFFD800  }
0x45: {  	[spmem:s2] =	stream.indirect.scatter.add.f32 [tilespmem:s20], [sflag:$0x6], $0x80, s24, s17, $0xb8;
	[tilespmem:$0x19200] =	vst v63  }
0x46: {  	_ =	swait.ge [sflag:s25], $0x2800  }
0x47: {  	[sflag:s25] =	ssyncset.done $0x0  }
0x48: {  	s31 =	sadd.s32 s30, s12;
	[sflag:s25] =	ssyncadd.s32 $0xFFFFD800  }
0x49: {  	[tilespmem:s3], [sflag:$0x1] =	stream.linear.gather [hbm4b:s31+s3], $0x100, $0x38;
	[tilespmem:$0x19200] =	vst v63  }
0x4a: {  	_ =	swait.ge [sflag:s26], $0x2800  }
0x4b: {  	[sflag:s26] =	ssyncset.done $0x0  }
0x4c: {  	s30 =	sadd.s32 s30, s11;
	[sflag:s26] =	ssyncadd.s32 $0xFFFFD800  }
0x4d: {  	[tilespmem:s15], [sflag:$0x2] =	stream.linear.gather [hbm4b:s30+s3], $0x100, $0x38;
	[tilespmem:$0x19200] =	vst v63  }
0x4e: {  	_ =	swait.ge [sflag:s16], $0x100  }
0x4f: {  	[sflag:s16] =	ssyncset.done $0x0  }
.Ltmp0:
0x50: {  	[sflag:s16] =	ssyncadd.s32 $0xFFFFFF00;
	(pc) =	sbr.rel @p0 .LBB2_2-.Ltmp0, $4  }
0x51: {  	[tilespmem:s18], [sflag:$0x3] =	stream.indirect.gather [hbm4b:s4+s17], $0x80, s3, s17, $0xb8;
	[tilespmem:$0x19200] =	vst v63  }
0x52: {  	_ =	swait.ge [sflag:s19], $0x100  }
0x53: {  	[sflag:s19] =	ssyncset.done $0x0  }
0x54: {  	[sflag:s19] =	ssyncadd.s32 $0xFFFFFF00  }
0x55: {  	[tilespmem:s20], [sflag:$0x4] =	stream.indirect.gather [hbm4b:s4+s17], $0x80, s15, s17, $0xb8;
	[tilespmem:$0x19200] =	vst v63  }
0x56: {  	_ =	swait.ge [sflag:s21], $0x2800  }
0x57: {  	[sflag:s21] =	ssyncset.done $0x0  }
0x58: {  	[sflag:s21] =	ssyncadd.s32 $0xFFFFD800  }
0x59: {  	[spmem:s2] =	stream.indirect.scatter.add.f32 [tilespmem:s18], [sflag:$0x5], $0x80, s22, s17, $0xb8;
	[tilespmem:$0x19200] =	vst v63  }
0x5a: {  	_ =	swait.ge [sflag:s23], $0x2800  }
0x5b: {  	[sflag:s23] =	ssyncset.done $0x0  }
0x5c: {  	[sflag:s23] =	ssyncadd.s32 $0xFFFFD800  }
0x5d: {  	[spmem:s2] =	stream.indirect.scatter.add.f32 [tilespmem:s20], [sflag:$0x6], $0x80, s24, s17, $0xb8;
	[tilespmem:$0x19200] =	vst v63  }
0x5e: {  	_ =	swait.ge [sflag:s25], $0x2800  }
0x5f: {  	[sflag:s25] =	ssyncset.done $0x0  }
0x60: {  	[sflag:s25] =	ssyncadd.s32 $0xFFFFD800  }
0x61: {  	_ =	swait.ge [sflag:s26], $0x2800  }
0x62: {  	s28 =	sadd.s32 $0x1, s28;
	[sflag:s26] =	ssyncset.done $0x0  }
0x63: {  	p0 =	sne.s32 s28, s10;
	[sflag:s26] =	ssyncadd.s32 $0xFFFFD800  }
.Ltmp1:
0x64: {  	[bflag:$0x0] =	sbarrier.arrive $0xFFFF;
	(pc) =	sbr.rel @p0 .LBB2_1-.Ltmp1, $4  }
0x65: {  	[hbm:s9], [sflag:s6] =	dma.local [spmem:s13], $0x2800  }
0x66: {  	_ =	swait.ge [sflag:s14], $0x2800  }
0x67: {  	[sflag:s14] =	ssyncset.done $0x0  }
0x68: {  	[sflag:s14] =	ssyncadd.s32 $0xFFFFD800  }
0x69: {  	_ =	sfence.sel $0x180000  }
0x6a: {  	[bflag:$0x0] =	sbarrier.arrive $0xFFFF  }
0x6b: {  	p0 =	sne.s32 s1, $0x0;
	_ =	strace $0x9000004D  }
0x6c: {  	s0 =	sadd.s32 @!p0 $0x100000, s0;
	[bflag:$0x2] =	sbarrier.arrive $0xFFFF  }
0x6d: {  	[sflag:s0] =	ssyncadd.tile.s32 @!p0 $0x1;
	_ =	shalt  }
.Lfunc_end2:
_tile_overlayer_lowered:
.L_overlay_start_2:
0x6e: {  	(tag) =	ssettag $0x2  }
0x6f: {  	s0 =	rddreg [dreg:$0x0];
	s2 =	stileid.u32  }
0x70: {  	s1 =	rddreg [dreg:$0x1];
	p0 =	sne.s32 s2, $0x0  }
0x71: {  	s3 =	rddreg [dreg:$0x2];
	[bflag:$0x3] =	sbarrier.arrive $0xFFFF;
	s2 =	simm.s32 @!p0 $0x1C07  }
0x72: {  	[timem:s3], [sflag:s2] =	dma.local @!p0 [hbm:s0], s1  }
0x73: {  	s0 =	simm.s32 @!p0 $0x7  }
0x74: {  	_ =	swait.ge @!p0 [sflag:s0], s1  }
0x75: {  	s1 =	ssub.s32 @!p0 $0x0, s1;
	[sflag:s0] =	ssyncset.done @!p0 $0x0  }
0x76: {  	[sflag:s0] =	ssyncadd.s32 @!p0 s1  }
0x77: {  	[bflag:$0x3] =	sbarrier.arrive $0xFFFF  }
0x78: {  	_ =	shalt  }

// kernel: kernel.9.cloned.1.call-start
scs
__scs_entry_jumppad:
0x0: {  	(pc) =	sbr.rel $0x88, $3  }
0x1: {  	(tag) =	ssettag $0x0;
	lr =	simm.s32 $0x1  }
0x2: {  	[smem:$0x3F9B] =	sst lr;
	_ =	strace $0xD0000000  }
0x3: {  	_ = 	snop  }
0x4: {  	_ = 	snop  }
0x5: {  	_ = 	snop  }
0x6: {  	_ = 	snop  }
0x7: {  	_ = 	snop  }
__scs_overlays_trampoline_lowered:
0x8: {  	[smem:$0x3FAA] =	sst s0  }
0x9: {  	[smem:$0x3FAB] =	sst s1  }
0xa: {  	[smem:$0x3FAC] =	sst s2  }
0xb: {  	[smem:$0x3FAD] =	sst s3  }
0xc: {  	[smem:$0x3FAE] =	sst s4  }
0xd: {  	[smem:$0x3FAF] =	sst s5  }
0xe: {  	[smem:$0x3FB0] =	sst s6  }
0xf: {  	[smem:$0x3FB1] =	sst s7  }
0x10: {  	[smem:$0x3FB2] =	sst s8  }
0x11: {  	[smem:$0x3FB3] =	sst s9;
	s0 =	simm.s32 @!p0 $0x0  }
0x12: {  	s1 =	sld [smem:$0x3F99];
	s0 =	simm.s32 @p0 $0x1  }
0x13: {  	[smem:$0x3FB4] =	sst s0;
	s0 =	simm.s32 @!p1 $0x0  }
0x14: {  	s2 =	sld [smem:$0x3F98];
	s0 =	simm.s32 @p1 $0x1  }
0x15: {  	[smem:$0x3FB5] =	sst s0;
	s0 =	simm.s32 @!p2 $0x0  }
0x16: {  	s3 =	sld [smem:$0x3FDB];
	s0 =	simm.s32 @p2 $0x1  }
0x17: {  	s4 =	simm.s32 $0x1BF5;
	[smem:$0x3FB7] =	sst s0  }
0x18: {  	s0 =	sld [smem:$0x3F9A];
	_ =	swait.ge [sflag:s4], $0x0  }
0x19: {  	s7 =	sld [smem:$0x3F9B]  }
0x1a: {  	s8 =	sadd.s32 $0xFFFFE003, lr  }
0x1b: {  	s9 =	sadd.s32 $0xFFFFFEF7, lr;
	s5 =	simm.s32 $0xFFFFFFFF;
	p2 =	slt.u32 s8, $0xFFFFF086  }
0x1c: {  	p1 =	slt.u32 s9, $0xF7A;
	s5 =	simm.s32 @!p2 $0x0  }
0x1d: {  	s5 =	simm.s32 @p1 $0x1;
	p0 =	seq.s32 s7, s2  }
0x1e: {  	s7 =	smul.u32 @!p0 $0xF7A, s2;
	p2 =	seq.s32 @!p0 s5, $0x0  }
0x1f: {  	s9 =	smul.u32 $0xF7A, s1;
	s8 =	simm.s32 @!p0 $0x1BF5;
	p2 =	por !p2, p0  }
0x20: {  	[sflag:s8] =	ssyncset.s32 @!p0 $0xFFFFF086;
	s6 =	sadd.s32 @!p0 s3, s7;
	s7 =	simm.s32 @!p0 $0x108  }
0x21: {  	s3 =	sadd.s32 s3, s9;
	s6 =	sadd.s32 @!p0 $0x88, s6;
	s7 =	simm.s32 @p2 $0x1082  }
0x22: {  	[simem:s7], [sflag:s8] =	dma.local @!p0 [hbm:s6], $0xF7A  }
0x23: {  	s9 =	sor.u32 $0xD0000000, s2;
	s6 =	simm.s32 $0x108;
	_ =	swait.ge @!p0 [sflag:s8], $0x0  }
0x24: {  	s3 =	sadd.s32 $0x88, s3;
	s6 =	simm.s32 @!p1 $0x1082;
	[sflag:s4] =	ssyncset.s32 $0xFFFFF086  }
0x25: {  	[simem:s6], [sflag:s4] =	dma.local [hbm:s3], $0xF7A  }
0x26: {  	[smem:$0x3F9B] =	sst s1;
	(tag) =	ssettag s2;
	_ =	strace s9  }
0x27: {  	s1 =	sld [smem:$0x3FAB]  }
0x28: {  	s2 =	sld [smem:$0x3FAC]  }
0x29: {  	s4 =	sld [smem:$0x3FAE]  }
0x2a: {  	p0 =	seq.s32 s5, $0x0;
	s5 =	sld [smem:$0x3FAF]  }
0x2b: {  	s6 =	sld [smem:$0x3FB0]  }
0x2c: {  	s7 =	sld [smem:$0x3FB1]  }
0x2d: {  	s3 =	simm.s32 $0x108;
	s8 =	sld [smem:$0x3FB2]  }
0x2e: {  	s3 =	simm.s32 @!p0 $0x1082;
	s9 =	sld [smem:$0x3FB3]  }
0x2f: {  	lr =	sadd.s32 s0, s3;
	s0 =	sld [smem:$0x3FAA]  }
0x30: {  	s3 =	sld [smem:$0x3FAD]  }
0x31: {  	[smem:$0x3FB6] =	sst s10  }
0x32: {  	s10 =	sld [smem:$0x3FB4];
	_ =	sdelay $0x3  }
0x33: {  	p0 =	seq.s32 s10, $0x1;
	s10 =	sld [smem:$0x3FB6];
	_ =	sdelay $0x3  }
0x34: {  	[smem:$0x3FB6] =	sst s10  }
0x35: {  	s10 =	sld [smem:$0x3FB5];
	_ =	sdelay $0x3  }
0x36: {  	p1 =	seq.s32 s10, $0x1;
	s10 =	sld [smem:$0x3FB6];
	_ =	sdelay $0x3  }
0x37: {  	[smem:$0x3FB6] =	sst s10  }
0x38: {  	s10 =	sld [smem:$0x3FB7]  }
0x39: {  	_ = 	snop;
	(pc) =	sbr.ind lr, $3  }
0x3a: {  	_ = 	snop  }
0x3b: {  	_ = 	snop  }
0x3c: {  	p2 =	seq.s32 s10, $0x1;
	s10 =	sld [smem:$0x3FB6]  }
0x3d: {  	_ =	shalt  }
0x3e: {  	_ =	shalt  }
0x3f: {  	_ =	shalt  }
0x40: {  	_ =	shalt  }
0x41: {  	_ =	shalt  }
0x42: {  	_ =	shalt  }
0x43: {  	_ =	shalt  }
0x44: {  	_ =	shalt  }
0x45: {  	_ =	shalt  }
0x46: {  	_ =	shalt  }
0x47: {  	_ =	shalt  }
0x48: {  	_ =	shalt  }
0x49: {  	_ =	shalt  }
0x4a: {  	_ =	shalt  }
0x4b: {  	_ =	shalt  }
0x4c: {  	_ =	shalt  }
0x4d: {  	_ =	shalt  }
0x4e: {  	_ =	shalt  }
0x4f: {  	_ =	shalt  }
0x50: {  	_ =	shalt  }
0x51: {  	_ =	shalt  }
0x52: {  	_ =	shalt  }
0x53: {  	_ =	shalt  }
0x54: {  	_ =	shalt  }
0x55: {  	_ =	shalt  }
0x56: {  	_ =	shalt  }
0x57: {  	_ =	shalt  }
0x58: {  	_ =	shalt  }
0x59: {  	_ =	shalt  }
0x5a: {  	_ =	shalt  }
0x5b: {  	_ =	shalt  }
0x5c: {  	_ =	shalt  }
0x5d: {  	_ =	shalt  }
0x5e: {  	_ =	shalt  }
0x5f: {  	_ =	shalt  }
0x60: {  	_ =	shalt  }
0x61: {  	_ =	shalt  }
0x62: {  	_ =	shalt  }
0x63: {  	_ =	shalt  }
0x64: {  	_ =	shalt  }
0x65: {  	_ =	shalt  }
0x66: {  	_ =	shalt  }
0x67: {  	_ =	shalt  }
0x68: {  	_ =	shalt  }
0x69: {  	_ =	shalt  }
0x6a: {  	_ =	shalt  }
0x6b: {  	_ =	shalt  }
0x6c: {  	_ =	shalt  }
0x6d: {  	_ =	shalt  }
0x6e: {  	_ =	shalt  }
0x6f: {  	_ =	shalt  }
0x70: {  	_ =	shalt  }
0x71: {  	_ =	shalt  }
0x72: {  	_ =	shalt  }
0x73: {  	_ =	shalt  }
0x74: {  	_ =	shalt  }
0x75: {  	_ =	shalt  }
0x76: {  	_ =	shalt  }
0x77: {  	_ =	shalt  }
0x78: {  	_ =	shalt  }
0x79: {  	_ =	shalt  }
0x7a: {  	_ =	shalt  }
0x7b: {  	_ =	shalt  }
0x7c: {  	_ =	shalt  }
0x7d: {  	_ =	shalt  }
0x7e: {  	_ =	shalt  }
0x7f: {  	_ =	shalt  }
0x80: {  	_ =	shalt  }
0x81: {  	_ =	shalt  }
0x82: {  	_ =	shalt  }
0x83: {  	_ =	shalt  }
0x84: {  	_ =	shalt  }
0x85: {  	_ =	shalt  }
0x86: {  	_ =	shalt  }
0x87: {  	_ =	shalt  }
.Lfunc_end0:
.L_simem_size_0:
called_computation_lowered:
.L_overlay_start_0:
0x88: {  	s2 =	sld [smem:$0x3FD9]  }
0x89: {  	s3 =	sld [smem:$0x3FFE];
	_ =	sdelay $0x1  }
0x8a: {  	s1 =	srdreg.scid  }
0x8b: {  	s0 =	sand.u32 $0x1, s1  }
0x8c: {  	s17 =	sshll.u32 s0, $0xA;
	s2 =	sadd.s32 s3, s2  }
0x8d: {  	s2 =	sadd.s32 s2, s17  }
0x8e: {  	[smem:$0x3FC2] =	sst s2  }
0x8f: {  	_ = 	snop  }
0x90: {  	s2 =	sld [smem:$0x3FD0];
	(tm) =	ssettm $0x1  }
0x91: {  	s18 =	sld [smem:$0x3FFB];
	_ =	sdelay $0x3  }
0x92: {  	_ =	strace s18  }
0x93: {  	s3 =	sld [smem:$0x3FFC];
	_ =	sdelay $0x3  }
0x94: {  	_ =	strace s3  }
0x95: {  	s3 =	sld [smem:$0x3FFD];
	_ =	sdelay $0x3  }
0x96: {  	_ =	strace s3  }
0x97: {  	_ =	strace $0x8FFFFFFF  }
0x98: {  	s19 =	sld [smem:$0x3FDB];
	_ =	sdelay $0x1  }
0x99: {  	s4 =	simm.s32 $_scs_section_size  }
0x9a: {  	s5 =	simm.s32 $_size__tile_overlayer_lowered;
	s6 =	simm.s32 $_tile_overlayer_lowered  }
0x9b: {  	s22 =	simm.s32 $0x1BFF;
	s21 =	sshll.u32 s6, $0x1;
	s3 =	sadd.s32 s4, s19  }
0x9c: {  	s7 =	simm.s32 $0x0;
	s20 =	sshll.u32 s5, $0x1;
	s5 =	sadd.s32 s21, s3  }
0x9d: {  	[timem:s7], [sflag:s22] =	dma.local [hbm:s5], s20  }
0x9e: {  	_ =	swait.ge [sflag:s22], s20  }
0x9f: {  	s4 =	ssub.s32 $0x0, s20;
	[sflag:s22] =	ssyncset.done $0x0  }
0xa0: {  	[sflag:s22] =	ssyncadd.s32 s4;
	_ =	sdelay $0x1  }
0xa1: {  	s23 =	simm.s32 $0x1B8B  }
0xa2: {  	_ =	swait.ge [sflag:s23], $0x1  }
0xa3: {  	[sflag:s23] =	ssyncset.done $0x0  }
0xa4: {  	s25 =	simm.s32 $0x1B8E;
	s24 =	sld [smem:$0x3FFE];
	[sflag:s23] =	ssyncadd.s32 $0xFFFFFFFF  }
0xa5: {  	s26 =	simm.s32 $execute0_lowered;
	[smem:$0x3FD2] =	sst s25  }
0xa6: {  	s5 =	sshll.u32 s26, $0x1;
	_ =	strace $0x80000046;
	[dreg:$0x1] =	wrdreg $0xFFFFFFFF  }
0xa7: {  	s28 =	simm.s32 $_size_execute0_lowered;
	s3 =	sadd.s32 s3, s5;
	[dreg:$0x0] =	wrdreg $0x0  }
0xa8: {  	s5 =	sshll.u32 s28, $0x1;
	[dreg:$0x2] =	wrdreg s3  }
0xa9: {  	[dreg:$0x3] =	wrdreg s5  }
0xaa: {  	[dreg:$0x4] =	wrdreg $0xC0  }
0xab: {  	_ =	task [dreg:s7], $0x5FFFF  }
0xac: {  	[dreg:$0x1] =	wrdreg $0xFFFFFFFF  }
0xad: {  	[dreg:$0x0] =	wrdreg $0x60  }
0xae: {  	[dreg:$0x2] =	wrdreg s24  }
0xaf: {  	[dreg:$0x3] =	wrdreg s2  }
0xb0: {  	[dreg:$0x4] =	wrdreg $0x2C000  }
0xb1: {  	[dreg:$0x5] =	wrdreg $0x9  }
0xb2: {  	_ =	task.clear_ibuf [dreg:s7], $0x6FFFF;
	_ =	strace $0x90000046  }
0xb3: {  	s29 =	simm.s32 $0x9;
	_ =	strace $0x80000048  }
0xb4: {  	_ =	swait.ge [sflag:s29], $0x1  }
0xb5: {  	[sflag:s29] =	ssyncadd.s32 $0xFFFFFFFF  }
0xb6: {  	_ =	strace $0x90000048  }
0xb7: {  	_ =	sfence  }
0xb8: {  	s30 =	sld [smem:$0x0];
	_ =	sdelay $0x2  }
0xb9: {  	s31 =	sshll.u32 s1, $0xD;
	s1 =	sshrl.u32 s1, $0x2  }
0xba: {  	s3 =	sand.u32 $0x4000, s31;
	s1 =	sadd.s32 s1, s30  }
0xbb: {  	s0 =	sor.u32 s3, s0;
	s1 =	sshll.u32 s1, $0x11  }
0xbc: {  	s0 =	sor.u32 s1, s0  }
0xbd: {  	s0 =	sadd.s32 $0x8F2B, s0  }
0xbe: {  	[sflag:s0] =	ssyncadd.remote.s32 $0x1  }
0xbf: {  	_ =	sfence.sel $0xFFFF  }
0xc0: {  	[dreg:$0x0] =	wrdreg $0xFFFFFFFF;
	(pc) =	sbr.abs _section_cstart, $3  }
0xc1: {  	[dreg:$0x1] =	wrdreg $0xFFFFFFFF  }
0xc2: {  	_ =	task.clear_ibuf [dreg:s7], $0x2FFFF;
	_ =	strace $0x9FFFFFFF  }
0xc3: {  	(tm) =	ssettm $0x7FFFFFFF  }
tec
execute0_lowered:
.L_overlay_start_1:
0x0: {  	(tag) =	ssettag $0x1  }
0x1: {  	s0 =	rddreg [dreg:$0x0];
	s1 =	srdreg.scid  }
0x2: {  	s3 =	rddreg [dreg:$0x2];
	s6 =	stileid.u32  }
0x3: {  	s4 =	simm.s32 $0x0;
	s28 =	simm.s32 $0x2880;
	s29 =	simm.s32 $0x2900  }
0x4: {  	s30 =	simm.s32 $0x2980;
	s31 =	simm.s32 $0x2A00;
	s1 =	sand.u32 $0x1, s1  }
0x5: {  	s5 =	sshll.u32 s6, $0xF;
	s23 =	smul.u32 $0x14000, s6;
	[smem:$0x7FF] =	sst s4  }
0x6: {  	s2 =	sshll.u32 s1, $0x13;
	s7 =	smul.u32 $0x140000, s1;
	_ =	strace $0x80000047  }
0x7: {  	s1 =	ssub.s32 $0x2, s1;
	s2 =	sor.u32 s5, s2;
	s9 =	sshrl.u32 s23, $0x3  }
0x8: {  	s10 =	sshrl.u32 s1, $0x1;
	s5 =	sadd.s32 s23, s3;
	s24 =	sshrl.u32 s2, $0x3  }
0x9: {  	s7 =	sadd.s32 s23, s7;
	s9 =	sadd.s32 s9, s0;
	s1 =	ssub.s32 s1, s10  }
0xa: {  	[dreg:$0x4] =	wrdreg s5;
	s15 =	sor.u32 $0xF00, s2;
	s16 =	sor.u32 $0xE00, s2  }
0xb: {  	s19 =	sor.u32 $0xD00, s2;
	s20 =	sor.u32 $0xC00, s2;
	s21 =	sor.u32 $0xB00, s2  }
0xc: {  	s8 =	sadd.s32 s24, s0;
	s7 =	sshrl.u32 s7, $0x3;
	s25 =	sadd.s32 $0x22C00, s9  }
0xd: {  	s5 =	sshrl.u32 s15, $0x3;
	s1 =	smax.u32 s1, $0x1;
	[dreg:$0x5] =	wrdreg s25  }
0xe: {  	s15 =	simm.s32 $0xA;
	s6 =	sadd.s32 $0x2C30, s8;
	[dreg:$0xf] =	wrdreg s1  }
0xf: {  	s7 =	sadd.s32 s7, s0;
	s9 =	sadd.s32 $0x2C50, s8;
	[dreg:$0x7] =	wrdreg s6  }
0x10: {  	s0 =	sadd.s32 $0x2C10, s0;
	s10 =	sadd.s32 $0x2C70, s8;
	[dreg:$0x8] =	wrdreg s9  }
0x11: {  	s11 =	sadd.s32 $0x2C90, s8;
	s12 =	sadd.s32 $0x2CB0, s8;
	[dreg:$0x9] =	wrdreg s10  }
0x12: {  	s13 =	sadd.s32 $0x2CD0, s8;
	s14 =	sadd.s32 $0x2CF0, s8;
	[dreg:$0xa] =	wrdreg s11  }
0x13: {  	s1 =	sshrl.u32 s19, $0x3;
	s25 =	sor.u32 $0x900, s2;
	[dreg:$0xb] =	wrdreg s12  }
0x14: {  	s8 =	simm.s32 $0x3;
	s19 =	simm.s32 $0xF;
	[dreg:$0xc] =	wrdreg s13  }
0x15: {  	s26 =	sadd.s32 s24, s0;
	[dreg:$0xd] =	wrdreg s14;
	s7 =	sadd.s32 $0x4AC00, s7  }
0x16: {  	s6 =	sshrl.u32 s16, $0x3;
	s17 =	sadd.s32 s5, s0;
	s5 =	sshrl.u32 s20, $0x3  }
0x17: {  	s1 =	sadd.s32 s1, s0;
	s24 =	sor.u32 $0xA00, s2;
	s2 =	sor.u32 $0x800, s2  }
0x18: {  	s9 =	simm.s32 $0x4;
	s10 =	simm.s32 $0x5;
	s11 =	simm.s32 $0x6  }
0x19: {  	s12 =	simm.s32 $0x7;
	s13 =	simm.s32 $0x8;
	[dreg:$0x6] =	wrdreg s26  }
0x1a: {  	s14 =	simm.s32 $0x9;
	s16 =	simm.s32 $0xB;
	[dreg:$0xe] =	wrdreg s7  }
0x1b: {  	s20 =	simm.s32 $0x10;
	[dreg:$0x10] =	wrdreg s17;
	s18 =	sadd.s32 s6, s0  }
0x1c: {  	s6 =	sshrl.u32 s21, $0x3;
	[dreg:$0x12] =	wrdreg s1;
	s22 =	sadd.s32 s5, s0  }
0x1d: {  	s1 =	sshrl.u32 s24, $0x3;
	s5 =	sshrl.u32 s25, $0x3;
	s2 =	sshrl.u32 s2, $0x3  }
0x1e: {  	s7 =	simm.s32 $0x2;
	s25 =	simm.s32 $0xC;
	[dreg:$0x11] =	wrdreg s18  }
0x1f: {  	s17 =	simm.s32 $0xD;
	[dreg:$0x13] =	wrdreg s22;
	s23 =	sadd.s32 s6, s0  }
.Ltmp0:
0x20: {  	s1 =	sadd.s32 s1, s0;
	s26 =	sadd.s32 s5, s0;
	(pc) =	sbr.rel .LBB2_1-.Ltmp0, $4  }
0x21: {  	s24 =	sadd.s32 s2, s0;
	s0 =	simm.s32 $0x2A80;
	s2 =	simm.s32 $0x2B00  }
0x22: {  	s5 =	simm.s32 $0x1;
	s6 =	simm.s32 $0x50;
	[dreg:$0x14] =	wrdreg s23  }
0x23: {  	s18 =	simm.s32 $0xE;
	s22 =	simm.s32 $0x0;
	[dreg:$0x15] =	wrdreg s1  }
0x24: {  	[dreg:$0x19] =	wrdreg s26;
	s26 =	simm.s32 $0x2800;
	s1 =	simm.s32 $0x2B80  }
.LBB2_4:
0x25: {  	_ =	swait.ge [sflag:s14], $0x2800  }
0x26: {  	[sflag:s14] =	ssyncset.done $0x0  }
0x27: {  	[sflag:s14] =	ssyncadd.s32 $0xFFFFD800  }
0x28: {  	_ =	swait.ge [sflag:s15], $0x2800  }
0x29: {  	[sflag:s15] =	ssyncset.done $0x0  }
0x2a: {  	[sflag:s15] =	ssyncadd.s32 $0xFFFFD800  }
0x2b: {  	_ =	swait.ge [sflag:s16], $0x2800  }
0x2c: {  	[sflag:s16] =	ssyncset.done $0x0  }
0x2d: {  	[sflag:s16] =	ssyncadd.s32 $0xFFFFD800  }
0x2e: {  	_ =	swait.ge [sflag:s25], $0x2800  }
0x2f: {  	[sflag:s25] =	ssyncset.done $0x0  }
0x30: {  	[sflag:s25] =	ssyncadd.s32 $0xFFFFD800  }
0x31: {  	_ =	swait.ge [sflag:s17], $0x2800  }
0x32: {  	[sflag:s17] =	ssyncset.done $0x0  }
0x33: {  	[sflag:s17] =	ssyncadd.s32 $0xFFFFD800  }
0x34: {  	_ =	swait.ge [sflag:s18], $0x2800  }
0x35: {  	[sflag:s18] =	ssyncset.done $0x0  }
0x36: {  	[sflag:s18] =	ssyncadd.s32 $0xFFFFD800  }
0x37: {  	_ =	swait.ge [sflag:s19], $0x2800  }
0x38: {  	[sflag:s19] =	ssyncset.done $0x0  }
0x39: {  	[sflag:s19] =	ssyncadd.s32 $0xFFFFD800  }
0x3a: {  	_ =	swait.ge [sflag:s20], $0x2800  }
0x3b: {  	[sflag:s20] =	ssyncset.done $0x0  }
0x3c: {  	[sflag:s20] =	ssyncadd.s32 $0xFFFFD800  }
0x3d: {  	[bflag:$0x0] =	sbarrier.arrive $0xFFFF  }
0x3e: {  	s21 =	rddreg [dreg:$0xe]  }
0x3f: {  	s22 =	rddreg [dreg:$0x17]  }
0x40: {  	s23 =	rddreg [dreg:$0x18]  }
0x41: {  	[hbm:s21], [sflag:s22] =	dma.local [spmem:s23], $0x2800  }
0x42: {  	s21 =	simm.s32 $0x11  }
0x43: {  	_ =	swait.ge [sflag:s21], $0x2800  }
0x44: {  	s23 =	rddreg [dreg:$0x16]  }
0x45: {  	s22 =	sadd.s32 $0x1, s23;
	s23 =	rddreg [dreg:$0xf]  }
0x46: {  	p0 =	sne.s32 s22, s23  }
.Ltmp1:
0x47: {  	_ = 	snop;
	(pc) =	sbr.rel @!p0 .LBB2_5-.Ltmp1, $3  }
0x48: {  	_ =	sdelay $0x1  }
0x49: {  	[sflag:s21] =	ssyncset.done $0x0;
	s23 =	simm.s32 $0x11  }
0x4a: {  	[sflag:s23] =	ssyncadd.s32 $0xFFFFD800  }
.LBB2_1:
0x4b: {  	[dreg:$0x16] =	wrdreg s22  }
0x4c: {  	s22 =	simm.s32 $0x11;
	s21 =	rddreg [dreg:$0x1]  }
0x4d: {  	[tilespmem:s4], [sflag:$0x11] =	stream.linear.gather [hbm4b:s21+s4], $0x2800, $0x38;
	[tilespmem:$0x16C00] =	vst v63  }
0x4e: {  	s23 =	stileid.u32;
	_ =	swait.ge [sflag:s22], $0x2800  }
0x4f: {  	s21 =	sshll.u32 s23, $0x6;
	[sflag:s22] =	ssyncset.done $0x0;
	s23 =	rddreg [dreg:$0x4]  }
0x50: {  	[sflag:s22] =	ssyncadd.s32 $0xFFFFD800;
	s22 =	sor.u32 $0x1C11, s21;
	s21 =	rddreg [dreg:$0x5]  }
0x51: {  	s23 =	sshrl.u32 s23, $0x3;
	[dreg:$0x17] =	wrdreg s22  }
0x52: {  	[dreg:$0x18] =	wrdreg s23  }
0x53: {  	[spmem:s23], [sflag:s22] =	dma.local [hbm:s21], $0x2800  }
0x54: {  	s23 =	simm.s32 $0x11  }
0x55: {  	_ =	swait.ge [sflag:s23], $0x2800  }
0x56: {  	[sflag:s23] =	ssyncset.done $0x0  }
0x57: {  	[sflag:s23] =	ssyncadd.s32 $0xFFFFD800  }
0x58: {  	[bflag:$0x0] =	sbarrier.arrive $0xFFFF  }
0x59: {  	s22 =	rddreg [dreg:$0x6]  }
0x5a: {  	[tilespmem:s26], [sflag:$0x1] =	stream.linear.gather [hbm4b:s22+s4], $0x80, $0x38;
	[tilespmem:$0x16C00] =	vst v63  }
0x5b: {  	s23 =	rddreg [dreg:$0x7]  }
0x5c: {  	[tilespmem:s28], [sflag:$0x2] =	stream.linear.gather [hbm4b:s23+s4], $0x80, $0x38;
	[tilespmem:$0x16C00] =	vst v63  }
0x5d: {  	s22 =	rddreg [dreg:$0x8]  }
0x5e: {  	[tilespmem:s29], [sflag:$0x3] =	stream.linear.gather [hbm4b:s22+s4], $0x80, $0x38;
	[tilespmem:$0x16C00] =	vst v63  }
0x5f: {  	s23 =	rddreg [dreg:$0x9]  }
0x60: {  	[tilespmem:s30], [sflag:$0x4] =	stream.linear.gather [hbm4b:s23+s4], $0x80, $0x38;
	[tilespmem:$0x16C00] =	vst v63  }
0x61: {  	s22 =	rddreg [dreg:$0xa]  }
0x62: {  	[tilespmem:s31], [sflag:$0x5] =	stream.linear.gather [hbm4b:s22+s4], $0x80, $0x38;
	[tilespmem:$0x16C00] =	vst v63  }
0x63: {  	s23 =	rddreg [dreg:$0xb]  }
0x64: {  	[tilespmem:s0], [sflag:$0x6] =	stream.linear.gather [hbm4b:s23+s4], $0x80, $0x38;
	[tilespmem:$0x16C00] =	vst v63  }
0x65: {  	s22 =	rddreg [dreg:$0xc]  }
0x66: {  	[tilespmem:s2], [sflag:$0x7] =	stream.linear.gather [hbm4b:s22+s4], $0x80, $0x38;
	[tilespmem:$0x16C00] =	vst v63  }
0x67: {  	s23 =	rddreg [dreg:$0xd]  }
0x68: {  	[tilespmem:s1], [sflag:$0x8] =	stream.linear.gather [hbm4b:s23+s4], $0x80, $0x38;
	[tilespmem:$0x16C00] =	vst v63  }
0x69: {  	s21 =	simm.s32 $0x0;
	s23 =	rddreg [dreg:$0x19]  }
.LBB2_2:
0x6a: {  	_ =	swait.ge [sflag:s5], $0x80  }
0x6b: {  	[sflag:s5] =	ssyncset.done $0x0  }
0x6c: {  	[sflag:s5] =	ssyncadd.s32 $0xFFFFFF80  }
0x6d: {  	[spmem:s3] =	stream.indirect.scatter.add.f32 [tilespmem:s4], [sflag:$0x9], $0x80, s26, s6, $0xb8;
	[tilespmem:$0x16C00] =	vst v63  }
0x6e: {  	_ =	swait.ge [sflag:s7], $0x80  }
0x6f: {  	[sflag:s7] =	ssyncset.done $0x0  }
0x70: {  	[sflag:s7] =	ssyncadd.s32 $0xFFFFFF80  }
0x71: {  	[spmem:s3] =	stream.indirect.scatter.add.f32 [tilespmem:s4], [sflag:$0xA], $0x80, s28, s6, $0xb8;
	[tilespmem:$0x16C00] =	vst v63  }
0x72: {  	_ =	swait.ge [sflag:s8], $0x80  }
0x73: {  	[sflag:s8] =	ssyncset.done $0x0  }
0x74: {  	[sflag:s8] =	ssyncadd.s32 $0xFFFFFF80  }
0x75: {  	[spmem:s3] =	stream.indirect.scatter.add.f32 [tilespmem:s4], [sflag:$0xB], $0x80, s29, s6, $0xb8;
	[tilespmem:$0x16C00] =	vst v63  }
0x76: {  	_ =	swait.ge [sflag:s9], $0x80  }
0x77: {  	[sflag:s9] =	ssyncset.done $0x0  }
0x78: {  	[sflag:s9] =	ssyncadd.s32 $0xFFFFFF80  }
0x79: {  	[spmem:s3] =	stream.indirect.scatter.add.f32 [tilespmem:s4], [sflag:$0xC], $0x80, s30, s6, $0xb8;
	[tilespmem:$0x16C00] =	vst v63  }
0x7a: {  	_ =	swait.ge [sflag:s10], $0x80  }
0x7b: {  	[sflag:s10] =	ssyncset.done $0x0  }
0x7c: {  	[sflag:s10] =	ssyncadd.s32 $0xFFFFFF80  }
0x7d: {  	[spmem:s3] =	stream.indirect.scatter.add.f32 [tilespmem:s4], [sflag:$0xD], $0x80, s31, s6, $0xb8;
	[tilespmem:$0x16C00] =	vst v63  }
0x7e: {  	_ =	swait.ge [sflag:s11], $0x80  }
0x7f: {  	[sflag:s11] =	ssyncset.done $0x0  }
0x80: {  	[sflag:s11] =	ssyncadd.s32 $0xFFFFFF80  }
0x81: {  	[spmem:s3] =	stream.indirect.scatter.add.f32 [tilespmem:s4], [sflag:$0xE], $0x80, s0, s6, $0xb8;
	[tilespmem:$0x16C00] =	vst v63  }
0x82: {  	_ =	swait.ge [sflag:s12], $0x80  }
0x83: {  	[sflag:s12] =	ssyncset.done $0x0  }
0x84: {  	p0 =	seq.s32 s21, $0xF00;
	[sflag:s12] =	ssyncadd.s32 $0xFFFFFF80  }
0x85: {  	[spmem:s3] =	stream.indirect.scatter.add.f32 [tilespmem:s4], [sflag:$0xF], $0x80, s2, s6, $0xb8;
	[tilespmem:$0x16C00] =	vst v63  }
.Ltmp2:
0x86: {  	_ = 	snop;
	(pc) =	sbr.rel @p0 .LBB2_4-.Ltmp2, $4  }
0x87: {  	_ =	swait.ge [sflag:s13], $0x80  }
0x88: {  	[sflag:s13] =	ssyncset.done $0x0  }
0x89: {  	[sflag:s13] =	ssyncadd.s32 $0xFFFFFF80  }
0x8a: {  	[spmem:s3] =	stream.indirect.scatter.add.f32 [tilespmem:s4], [sflag:$0x10], $0x80, s1, s6, $0xb8;
	[tilespmem:$0x16C00] =	vst v63  }
0x8b: {  	_ =	swait.ge [sflag:s14], $0x2800  }
0x8c: {  	[sflag:s14] =	ssyncset.done $0x0  }
0x8d: {  	s22 =	sadd.s32 s21, s24;
	[sflag:s14] =	ssyncadd.s32 $0xFFFFD800  }
0x8e: {  	[tilespmem:s26], [sflag:$0x1] =	stream.linear.gather [hbm4b:s22+s4], $0x80, $0x38;
	[tilespmem:$0x16C00] =	vst v63  }
0x8f: {  	_ =	swait.ge [sflag:s15], $0x2800  }
0x90: {  	[sflag:s15] =	ssyncset.done $0x0  }
0x91: {  	s22 =	sadd.s32 s21, s23;
	[sflag:s15] =	ssyncadd.s32 $0xFFFFD800  }
0x92: {  	[tilespmem:s28], [sflag:$0x2] =	stream.linear.gather [hbm4b:s22+s4], $0x80, $0x38;
	[tilespmem:$0x16C00] =	vst v63  }
0x93: {  	_ =	swait.ge [sflag:s16], $0x2800  }
0x94: {  	[sflag:s16] =	ssyncset.done $0x0;
	s22 =	rddreg [dreg:$0x15]  }
0x95: {  	[sflag:s16] =	ssyncadd.s32 $0xFFFFD800;
	s22 =	sadd.s32 s21, s22  }
0x96: {  	[tilespmem:s29], [sflag:$0x3] =	stream.linear.gather [hbm4b:s22+s4], $0x80, $0x38;
	[tilespmem:$0x16C00] =	vst v63  }
0x97: {  	_ =	swait.ge [sflag:s25], $0x2800  }
0x98: {  	[sflag:s25] =	ssyncset.done $0x0;
	s22 =	rddreg [dreg:$0x14]  }
0x99: {  	[sflag:s25] =	ssyncadd.s32 $0xFFFFD800;
	s22 =	sadd.s32 s21, s22  }
0x9a: {  	[tilespmem:s30], [sflag:$0x4] =	stream.linear.gather [hbm4b:s22+s4], $0x80, $0x38;
	[tilespmem:$0x16C00] =	vst v63  }
0x9b: {  	_ =	swait.ge [sflag:s17], $0x2800  }
0x9c: {  	[sflag:s17] =	ssyncset.done $0x0;
	s22 =	rddreg [dreg:$0x13]  }
0x9d: {  	[sflag:s17] =	ssyncadd.s32 $0xFFFFD800;
	s22 =	sadd.s32 s21, s22  }
0x9e: {  	[tilespmem:s31], [sflag:$0x5] =	stream.linear.gather [hbm4b:s22+s4], $0x80, $0x38;
	[tilespmem:$0x16C00] =	vst v63  }
0x9f: {  	_ =	swait.ge [sflag:s18], $0x2800  }
0xa0: {  	[sflag:s18] =	ssyncset.done $0x0;
	s22 =	rddreg [dreg:$0x12]  }
0xa1: {  	[sflag:s18] =	ssyncadd.s32 $0xFFFFD800;
	s22 =	sadd.s32 s21, s22  }
0xa2: {  	[tilespmem:s0], [sflag:$0x6] =	stream.linear.gather [hbm4b:s22+s4], $0x80, $0x38;
	[tilespmem:$0x16C00] =	vst v63  }
0xa3: {  	_ =	swait.ge [sflag:s19], $0x2800  }
0xa4: {  	[sflag:s19] =	ssyncset.done $0x0;
	s22 =	rddreg [dreg:$0x11]  }
0xa5: {  	[sflag:s19] =	ssyncadd.s32 $0xFFFFD800;
	s22 =	sadd.s32 s21, s22  }
0xa6: {  	[tilespmem:s2], [sflag:$0x7] =	stream.linear.gather [hbm4b:s22+s4], $0x80, $0x38;
	[tilespmem:$0x16C00] =	vst v63  }
.Ltmp3:
0xa7: {  	_ = 	snop;
	(pc) =	sbr.rel .LBB2_2-.Ltmp3, $4  }
0xa8: {  	_ =	swait.ge [sflag:s20], $0x2800  }
0xa9: {  	[sflag:s20] =	ssyncset.done $0x0;
	s22 =	rddreg [dreg:$0x10]  }
0xaa: {  	[sflag:s20] =	ssyncadd.s32 $0xFFFFD800;
	s22 =	sadd.s32 s21, s22;
	s21 =	sadd.s32 $0x100, s21  }
0xab: {  	[tilespmem:s1], [sflag:$0x8] =	stream.linear.gather [hbm4b:s22+s4], $0x80, $0x38;
	[tilespmem:$0x16C00] =	vst v63  }
.LBB2_5:
0xac: {  	_ =	sfence.sel $0x180000  }
0xad: {  	[bflag:$0x0] =	sbarrier.arrive $0xFFFF  }
0xae: {  	_ =	strace $0x90000047  }
0xaf: {  	s0 =	stileid.u32;
	[bflag:$0x2] =	sbarrier.arrive $0xFFFF  }
0xb0: {  	p0 =	sne.s32 s0, $0x0;
	s0 =	rddreg [dreg:$0x3]  }
0xb1: {  	s0 =	sadd.s32 @!p0 $0x100000, s0  }
0xb2: {  	[sflag:s0] =	ssyncadd.tile.s32 @!p0 $0x1;
	_ =	shalt  }
.Lfunc_end2:
_tile_overlayer_lowered:
.L_overlay_start_2:
0xb3: {  	(tag) =	ssettag $0x2  }
0xb4: {  	s0 =	rddreg [dreg:$0x0];
	s2 =	stileid.u32  }
0xb5: {  	s1 =	rddreg [dreg:$0x1];
	p0 =	sne.s32 s2, $0x0  }
0xb6: {  	s3 =	rddreg [dreg:$0x2];
	[bflag:$0x3] =	sbarrier.arrive $0xFFFF;
	s2 =	simm.s32 @!p0 $0x1C11  }
0xb7: {  	[timem:s3], [sflag:s2] =	dma.local @!p0 [hbm:s0], s1  }
0xb8: {  	s0 =	simm.s32 @!p0 $0x11  }
0xb9: {  	_ =	swait.ge @!p0 [sflag:s0], s1  }
0xba: {  	s1 =	ssub.s32 @!p0 $0x0, s1;
	[sflag:s0] =	ssyncset.done @!p0 $0x0  }
0xbb: {  	[sflag:s0] =	ssyncadd.s32 @!p0 s1  }
0xbc: {  	[bflag:$0x3] =	sbarrier.arrive $0xFFFF  }
0xbd: {  	_ =	shalt  }

</sc_bundles>
